<compile_context>
chip_gen: v7x
topology: tpu7x:2x2x1
jax: 0.10.2.dev20260603
libtpu: 0.0.44.dev20260713+nightly
codegen_flags: <defaults>
</compile_context>

<pallas_src>
import functools

import jax
import jax.numpy as jnp
from jax import lax
from jax.experimental import pallas as pl
from jax.experimental.pallas import tpu as pltpu
from jax.experimental.pallas import tpu_sc as plsc

_NUM_CORES = 2
_NUM_SUBCORES = 16
_NUM_WORKERS = _NUM_CORES * _NUM_SUBCORES

_BLOCK = 512
_CPB = 128


_SKEW = 137


def _transpose_block(tin, tmid, tout, col_consts):

    @plsc.parallel_loop(0, 64, unroll=8)
    def scatter(j):
        for l0 in range(8):
            v = tin[j, pl.ds(l0 * 16, 16)]
            plsc.store_scatter(tmid, [col_consts[l0] + j], v)

    @plsc.parallel_loop(0, 128, unroll=8)
    def compact(l):
        for j0 in range(4):
            tout[pl.ds(l * 64 + j0 * 16, 16)] = tmid[pl.ds(l * _SKEW + j0 * 16, 16)]


@jax.jit
def _table_linearize(wt, tail_flat):
    d, n_rows = wt.shape
    n_main = (n_rows // _CPB) * _CPB
    nblk = n_main // _CPB
    per_w = nblk // _NUM_WORKERS
    extra = nblk - per_w * _NUM_WORKERS

    @functools.partial(
        pl.kernel,
        out_type=jax.ShapeDtypeStruct((n_rows * d,), jnp.float32),
        mesh=plsc.VectorSubcoreMesh(core_axis_name="c", subcore_axis_name="s"),
        scratch_types=[
            pltpu.VMEM((d, _CPB), jnp.float32),
            pltpu.VMEM((d, _CPB), jnp.float32),
            pltpu.VMEM((_CPB * _SKEW,), jnp.float32),
            pltpu.VMEM((_CPB * _SKEW,), jnp.float32),
            pltpu.VMEM((_CPB * d,), jnp.float32),
            pltpu.VMEM((_CPB * d,), jnp.float32),
            pltpu.SemaphoreType.DMA,
            pltpu.SemaphoreType.DMA,
            pltpu.SemaphoreType.DMA,
            pltpu.SemaphoreType.DMA,
        ],
        compiler_params=pltpu.CompilerParams(needs_layout_passes=False),
    )
    def k(wt_hbm, tail_hbm, out_hbm, tin0, tin1, tmid0, tmid1, tout0, tout1,
          si0, si1, so0, so1):
        wid = lax.axis_index("s") * _NUM_CORES + lax.axis_index("c")
        lanes = lax.iota(jnp.int32, 16)
        col_consts = [(lanes + l0 * 16) * _SKEW for l0 in range(8)]

        n_tail = (n_rows - n_main) * d

        @pl.when(wid == _NUM_WORKERS - 1)
        def _():
            pltpu.sync_copy(tail_hbm, tout0.at[pl.ds(0, n_tail)])
            pltpu.sync_copy(
                tout0.at[pl.ds(0, n_tail)],
                out_hbm.at[pl.ds(n_main * d, n_tail)],
            )

        def stage_in(c, tin, sem):
            pltpu.make_async_copy(
                wt_hbm.at[:, pl.ds(c * _CPB, _CPB)], tin, sem
            ).start()

        def wait_in(tin, sem):
            pltpu.make_async_copy(
                wt_hbm.at[:, pl.ds(0, _CPB)], tin, sem
            ).wait()

        def stage_out(c, tout, sem):
            pltpu.make_async_copy(
                tout, out_hbm.at[pl.ds(c * _CPB * d, _CPB * d)], sem
            ).start()

        def wait_out(tout, sem):
            pltpu.make_async_copy(
                tout, out_hbm.at[pl.ds(0, _CPB * d)], sem
            ).wait()

        def block_c(g):
            return g * _NUM_WORKERS + wid

        stage_in(block_c(0), tin0, si0)
        stage_in(block_c(1), tin1, si1)

        def body(it, carry):
            g0 = 2 * it
            g1 = g0 + 1
            wait_in(tin0, si0)
            _transpose_block(tin0, tmid0, tout0, col_consts)

            @pl.when(g0 + 2 < per_w)
            def _():
                stage_in(block_c(g0 + 2), tin0, si0)

            @pl.when(g0 > 0)
            def _():
                wait_out(tout0, so0)

            stage_out(block_c(g0), tout0, so0)

            wait_in(tin1, si1)
            _transpose_block(tin1, tmid1, tout1, col_consts)

            @pl.when(g1 + 2 < per_w)
            def _():
                stage_in(block_c(g1 + 2), tin1, si1)

            @pl.when(g1 > 1)
            def _():
                wait_out(tout1, so1)

            stage_out(block_c(g1), tout1, so1)
            return carry

        lax.fori_loop(0, per_w // 2, body, 0)

        @pl.when(wid < extra)
        def _():
            c = per_w * _NUM_WORKERS + wid
            pltpu.sync_copy(wt_hbm.at[:, pl.ds(c * _CPB, _CPB)], tin0)
            wait_out(tout0, so0)
            _transpose_block(tin0, tmid0, tout0, col_consts)
            stage_out(c, tout0, so0)

        wait_out(tout0, so0)
        wait_out(tout1, so1)

    return k(wt, tail_flat)


@functools.partial(jax.jit, static_argnames=("rows_per_worker",))
def _sc_gather(flat_ids, table, rows_per_worker):
    n, d = flat_ids.shape[0], table.shape[1]
    num_blocks = rows_per_worker // _BLOCK

    @functools.partial(
        pl.kernel,
        out_type=jax.ShapeDtypeStruct((n, 2 * d), jnp.float32),
        mesh=plsc.VectorSubcoreMesh(core_axis_name="c", subcore_axis_name="s"),
        scratch_types=[
            pltpu.VMEM((rows_per_worker,), jnp.int32),
            pltpu.VMEM((_BLOCK, d), jnp.float32),
            pltpu.VMEM((_BLOCK, d), jnp.float32),
            pltpu.SemaphoreType.DMA,
            pltpu.SemaphoreType.DMA,
            pltpu.SemaphoreType.DMA,
            pltpu.SemaphoreType.DMA,
        ],
        compiler_params=pltpu.CompilerParams(use_tc_tiling_on_sc=False),
    )
    def k(ids_hbm, table_hbm, out_hbm, idx_v, rows0, rows1, sg0, sg1, so0, so1):
        wid = lax.axis_index("s") * _NUM_CORES + lax.axis_index("c")
        base = wid * rows_per_worker
        pltpu.sync_copy(ids_hbm.at[pl.ds(base, rows_per_worker)], idx_v)

        def gather(g, rows, sem):
            pltpu.make_async_copy(
                table_hbm.at[idx_v.at[pl.ds(g * _BLOCK, _BLOCK)]], rows, sem
            ).start()

        def writeback(g, rows, sem):
            pltpu.make_async_copy(
                rows,
                out_hbm.at[pl.ds(base + g * _BLOCK, _BLOCK), pl.ds(0, d)],
                sem,
            ).start()

        def wait_gather(rows, sem):
            pltpu.make_async_copy(
                table_hbm.at[idx_v.at[pl.ds(0, _BLOCK)]], rows, sem
            ).wait()

        def wait_writeback(rows, sem):
            pltpu.make_async_copy(
                rows, out_hbm.at[pl.ds(base, _BLOCK), pl.ds(0, d)], sem
            ).wait()

        gather(0, rows0, sg0)
        gather(1, rows1, sg1)

        def body(it, carry):
            g0 = 2 * it
            g1 = g0 + 1
            wait_gather(rows0, sg0)
            writeback(g0, rows0, so0)
            wait_gather(rows1, sg1)
            writeback(g1, rows1, so1)

            @pl.when(g0 + 2 < num_blocks)
            def _():
                wait_writeback(rows0, so0)
                gather(g0 + 2, rows0, sg0)
                wait_writeback(rows1, so1)
                gather(g1 + 2, rows1, sg1)

            return carry

        lax.fori_loop(0, num_blocks // 2, body, 0)

        wait_writeback(rows0, so0)
        wait_writeback(rows1, so1)

    return k(flat_ids, table)


def kernel(token_ids, weight):
    b, s = token_ids.shape
    v, d = weight.shape
    flat = token_ids.reshape(-1).astype(jnp.int32)
    n = flat.shape[0]
    n_main = (v // _CPB) * _CPB
    table1d = _table_linearize(weight.T, weight[n_main:].reshape(-1))
    table = table1d.reshape(v, d)
    rows_per_worker = n // _NUM_WORKERS
    out128 = _sc_gather(flat, table, rows_per_worker)
    return out128[:, :d].reshape(b, s, d)

# --- scband reference (transcript-rebuilt; emitter-appended) ---
"""Pipeline reference for scband-embedding-2388001816735 (READ-ONLY COPY).

The authoritative reference and input builder live on the scoring server;
editing this copy changes nothing except your own understanding.
"""

import jax, jax.numpy as jnp
import numpy as np

NUM_EMBEDDINGS = 1000000
EMBEDDING_DIM = 64

def setup_inputs(seed: int = 0) -> dict:
    key = jax.random.key(seed)
    k_idx, k_w = jax.random.split(key)
    token_ids = jax.random.randint(k_idx, (4096, 200), 0, NUM_EMBEDDINGS, dtype=jnp.int64 if jax.config.read('jax_enable_x64') else jnp.int32)
    # trunc_normal_(mean=0, std=1, a=-3, b=3)
    weight = jax.random.truncated_normal(k_w, -3.0, 3.0, (NUM_EMBEDDINGS, EMBEDDING_DIM), dtype=jnp.float32)
    return {"token_ids": token_ids, "weight": weight}

def reference(token_ids, weight):
    # Faithful translation of: return self.weight[token_ids]
    return jnp.take(weight, token_ids, axis=0)

if __name__ == "__main__":
    import jax
    _d = setup_inputs()
    print(jax.jit(kernel)(*tuple(_d.values())))

</pallas_src>

<mosaic_0001>
#map = affine_map<(d0, d1) -> (0, 0)>
#map1 = affine_map<(d0, d1) -> (0)>
module attributes {stable_mosaic.version = 14 : i64} {
  func.func @k(%arg0: i32, %arg1: i32, %arg2: memref<64x1000000xf32, #tpu.memory_space<hbm>>, %arg3: memref<4096xf32, #tpu.memory_space<hbm>>, %arg4: memref<64000000xf32, #tpu.memory_space<hbm>>, %arg5: memref<64x128xf32, #tpu.memory_space<vmem>>, %arg6: memref<64x128xf32, #tpu.memory_space<vmem>>, %arg7: memref<17536xf32, #tpu.memory_space<vmem>>, %arg8: memref<17536xf32, #tpu.memory_space<vmem>>, %arg9: memref<8192xf32, #tpu.memory_space<vmem>>, %arg10: memref<8192xf32, #tpu.memory_space<vmem>>, %arg11: memref<!tpu.dma_semaphore, #tpu.memory_space<semaphore_mem>>, %arg12: memref<!tpu.dma_semaphore, #tpu.memory_space<semaphore_mem>>, %arg13: memref<!tpu.dma_semaphore, #tpu.memory_space<semaphore_mem>>, %arg14: memref<!tpu.dma_semaphore, #tpu.memory_space<semaphore_mem>>) attributes {dimension_semantics = [#tpu.dimension_semantics<core_parallel>, #tpu.dimension_semantics<subcore_parallel>], iteration_bounds = array<i64: 2, 16>, scalar_prefetch = 0 : i64, scratch_operands = 10 : i64, tpu.core_type = #tpu.core_type<sc_vector_subcore>, window_params = [{transform_indices = #map}, {transform_indices = #map1}, {transform_indices = #map1}]} {
    %mul3A = arith.constant 2 : i32
    %mul3A_0 = arith.muli %arg1, %mul3A : i32
    %add3A = arith.addi %mul3A_0, %arg0 : i32
    %iota3A = tpu.iota {dimensions = array<i32: 0>} : vector<16xi32>
    %add3A_1 = arith.constant 0 : i32
    %add3A_2 = vector.broadcast %add3A_1 : i32 to vector<16xi32>
    %add3A_3 = arith.addi %iota3A, %add3A_2 : vector<16xi32>
    %mul3A_4 = arith.constant 137 : i32
    %mul3A_5 = vector.broadcast %mul3A_4 : i32 to vector<16xi32>
    %mul3A_6 = arith.muli %add3A_3, %mul3A_5 : vector<16xi32>
    %add3A_7 = arith.constant 16 : i32
    %add3A_8 = vector.broadcast %add3A_7 : i32 to vector<16xi32>
    %add3A_9 = arith.addi %iota3A, %add3A_8 : vector<16xi32>
    %mul3A_10 = arith.constant 137 : i32
    %mul3A_11 = vector.broadcast %mul3A_10 : i32 to vector<16xi32>
    %mul3A_12 = arith.muli %add3A_9, %mul3A_11 : vector<16xi32>
    %add3A_13 = arith.constant 32 : i32
    %add3A_14 = vector.broadcast %add3A_13 : i32 to vector<16xi32>
    %add3A_15 = arith.addi %iota3A, %add3A_14 : vector<16xi32>
    %mul3A_16 = arith.constant 137 : i32
    %mul3A_17 = vector.broadcast %mul3A_16 : i32 to vector<16xi32>
    %mul3A_18 = arith.muli %add3A_15, %mul3A_17 : vector<16xi32>
    %add3A_19 = arith.constant 48 : i32
    %add3A_20 = vector.broadcast %add3A_19 : i32 to vector<16xi32>
    %add3A_21 = arith.addi %iota3A, %add3A_20 : vector<16xi32>
    %mul3A_22 = arith.constant 137 : i32
    %mul3A_23 = vector.broadcast %mul3A_22 : i32 to vector<16xi32>
    %mul3A_24 = arith.muli %add3A_21, %mul3A_23 : vector<16xi32>
    %add3A_25 = arith.constant 64 : i32
    %add3A_26 = vector.broadcast %add3A_25 : i32 to vector<16xi32>
    %add3A_27 = arith.addi %iota3A, %add3A_26 : vector<16xi32>
    %mul3A_28 = arith.constant 137 : i32
    %mul3A_29 = vector.broadcast %mul3A_28 : i32 to vector<16xi32>
    %mul3A_30 = arith.muli %add3A_27, %mul3A_29 : vector<16xi32>
    %add3A_31 = arith.constant 80 : i32
    %add3A_32 = vector.broadcast %add3A_31 : i32 to vector<16xi32>
    %add3A_33 = arith.addi %iota3A, %add3A_32 : vector<16xi32>
    %mul3A_34 = arith.constant 137 : i32
    %mul3A_35 = vector.broadcast %mul3A_34 : i32 to vector<16xi32>
    %mul3A_36 = arith.muli %add3A_33, %mul3A_35 : vector<16xi32>
    %add3A_37 = arith.constant 96 : i32
    %add3A_38 = vector.broadcast %add3A_37 : i32 to vector<16xi32>
    %add3A_39 = arith.addi %iota3A, %add3A_38 : vector<16xi32>
    %mul3A_40 = arith.constant 137 : i32
    %mul3A_41 = vector.broadcast %mul3A_40 : i32 to vector<16xi32>
    %mul3A_42 = arith.muli %add3A_39, %mul3A_41 : vector<16xi32>
    %add3A_43 = arith.constant 112 : i32
    %add3A_44 = vector.broadcast %add3A_43 : i32 to vector<16xi32>
    %add3A_45 = arith.addi %iota3A, %add3A_44 : vector<16xi32>
    %mul3A_46 = arith.constant 137 : i32
    %mul3A_47 = vector.broadcast %mul3A_46 : i32 to vector<16xi32>
    %mul3A_48 = arith.muli %add3A_45, %mul3A_47 : vector<16xi32>
    %eq3A = arith.constant 31 : i32
    %eq3A_49 = arith.cmpi eq, %add3A, %eq3A : i32
    %convert_element_type3A = arith.extui %eq3A_49 : i1 to i32
    %cond3A = arith.constant 0 : i32
    %cond3A_50 = arith.cmpi ne, %convert_element_type3A, %cond3A : i32
    scf.if %cond3A_50 {
      "tpu.region"() ({
        %run_scoped3A = tpu.sem_alloc : memref<!tpu.dma_semaphore, #tpu.memory_space<semaphore_mem>>
        %dma_start3A_82 = arith.constant 0 : i32
        %dma_start3A_83 = tpu.memref_slice %arg9[%dma_start3A_82] : memref<8192xf32, #tpu.memory_space<vmem>> -> memref<4096xf32, #tpu.memory_space<vmem>>
        %dma_start3A_84 = arith.constant 0 : i32
        %dma_start3A_85 = tpu.memref_slice %arg9[%dma_start3A_84] : memref<8192xf32, #tpu.memory_space<vmem>> -> memref<4096xf32, #tpu.memory_space<vmem>>
        tpu.enqueue_dma source(%arg3 : memref<4096xf32, #tpu.memory_space<hbm>>) target(%dma_start3A_85 : memref<4096xf32, #tpu.memory_space<vmem>>) target_semaphore(%run_scoped3A : memref<!tpu.dma_semaphore, #tpu.memory_space<semaphore_mem>>)
        %dma_wait3A_86 = arith.constant 0 : i32
        %dma_wait3A_87 = tpu.memref_slice %arg9[%dma_wait3A_86] : memref<8192xf32, #tpu.memory_space<vmem>> -> memref<4096xf32, #tpu.memory_space<vmem>>
        %dma_wait3A_88 = arith.constant 0 : i32
        %dma_wait3A_89 = tpu.memref_slice %arg9[%dma_wait3A_88] : memref<8192xf32, #tpu.memory_space<vmem>> -> memref<4096xf32, #tpu.memory_space<vmem>>
        tpu.wait_dma2 semaphore(%run_scoped3A : memref<!tpu.dma_semaphore, #tpu.memory_space<semaphore_mem>>) src(%arg3 : memref<4096xf32, #tpu.memory_space<hbm>>) dst(%dma_wait3A_89 : memref<4096xf32, #tpu.memory_space<vmem>>)
        tpu.yield
      }) : () -> ()
      "tpu.region"() ({
        %run_scoped3A = tpu.sem_alloc : memref<!tpu.dma_semaphore, #tpu.memory_space<semaphore_mem>>
        %dma_start3A_82 = arith.constant 0 : i32
        %dma_start3A_83 = tpu.memref_slice %arg9[%dma_start3A_82] : memref<8192xf32, #tpu.memory_space<vmem>> -> memref<4096xf32, #tpu.memory_space<vmem>>
        %dma_start3A_84 = arith.constant 63995904 : i32
        %dma_start3A_85 = tpu.memref_slice %arg4[%dma_start3A_84] : memref<64000000xf32, #tpu.memory_space<hbm>> -> memref<4096xf32, #tpu.memory_space<hbm>>
        %dma_start3A_86 = arith.constant 63995904 : i32
        %dma_start3A_87 = tpu.memref_slice %arg4[%dma_start3A_86] : memref<64000000xf32, #tpu.memory_space<hbm>> -> memref<4096xf32, #tpu.memory_space<hbm>>
        %dma_start3A_88 = arith.constant 0 : i32
        %dma_start3A_89 = tpu.memref_slice %arg9[%dma_start3A_88] : memref<8192xf32, #tpu.memory_space<vmem>> -> memref<4096xf32, #tpu.memory_space<vmem>>
        tpu.enqueue_dma source(%dma_start3A_89 : memref<4096xf32, #tpu.memory_space<vmem>>) target(%dma_start3A_87 : memref<4096xf32, #tpu.memory_space<hbm>>) target_semaphore(%run_scoped3A : memref<!tpu.dma_semaphore, #tpu.memory_space<semaphore_mem>>)
        %dma_wait3A_90 = arith.constant 0 : i32
        %dma_wait3A_91 = tpu.memref_slice %arg9[%dma_wait3A_90] : memref<8192xf32, #tpu.memory_space<vmem>> -> memref<4096xf32, #tpu.memory_space<vmem>>
        %dma_wait3A_92 = arith.constant 63995904 : i32
        %dma_wait3A_93 = tpu.memref_slice %arg4[%dma_wait3A_92] : memref<64000000xf32, #tpu.memory_space<hbm>> -> memref<4096xf32, #tpu.memory_space<hbm>>
        %dma_wait3A_94 = arith.constant 63995904 : i32
        %dma_wait3A_95 = tpu.memref_slice %arg4[%dma_wait3A_94] : memref<64000000xf32, #tpu.memory_space<hbm>> -> memref<4096xf32, #tpu.memory_space<hbm>>
        %dma_wait3A_96 = arith.constant 0 : i32
        %dma_wait3A_97 = tpu.memref_slice %arg9[%dma_wait3A_96] : memref<8192xf32, #tpu.memory_space<vmem>> -> memref<4096xf32, #tpu.memory_space<vmem>>
        tpu.wait_dma2 semaphore(%run_scoped3A : memref<!tpu.dma_semaphore, #tpu.memory_space<semaphore_mem>>) src(%dma_wait3A_97 : memref<4096xf32, #tpu.memory_space<vmem>>) dst(%dma_wait3A_95 : memref<4096xf32, #tpu.memory_space<hbm>>)
        tpu.yield
      }) : () -> ()
    } else {
    }
    %add3A_51 = arith.constant 0 : i32
    %add3A_52 = arith.addi %add3A_51, %add3A : i32
    %mul3A_53 = arith.constant 128 : i32
    %mul3A_54 = arith.muli %add3A_52, %mul3A_53 : i32
    %dma_start3A = arith.constant 0 : i32
    %dma_start3A_55 = tpu.memref_slice %arg2[%dma_start3A, %mul3A_54] : memref<64x1000000xf32, #tpu.memory_space<hbm>> -> memref<64x128xf32, #tpu.memory_space<hbm>>
    %dma_start3A_56 = arith.constant 0 : i32
    %dma_start3A_57 = tpu.memref_slice %arg2[%dma_start3A_56, %mul3A_54] : memref<64x1000000xf32, #tpu.memory_space<hbm>> -> memref<64x128xf32, #tpu.memory_space<hbm>>
    tpu.enqueue_dma source(%dma_start3A_57 : memref<64x128xf32, #tpu.memory_space<hbm>>) target(%arg5 : memref<64x128xf32, #tpu.memory_space<vmem>>) target_semaphore(%arg11 : memref<!tpu.dma_semaphore, #tpu.memory_space<semaphore_mem>>)
    %add3A_58 = arith.constant 32 : i32
    %add3A_59 = arith.addi %add3A_58, %add3A : i32
    %mul3A_60 = arith.constant 128 : i32
    %mul3A_61 = arith.muli %add3A_59, %mul3A_60 : i32
    %dma_start3A_62 = arith.constant 0 : i32
    %dma_start3A_63 = tpu.memref_slice %arg2[%dma_start3A_62, %mul3A_61] : memref<64x1000000xf32, #tpu.memory_space<hbm>> -> memref<64x128xf32, #tpu.memory_space<hbm>>
    %dma_start3A_64 = arith.constant 0 : i32
    %dma_start3A_65 = tpu.memref_slice %arg2[%dma_start3A_64, %mul3A_61] : memref<64x1000000xf32, #tpu.memory_space<hbm>> -> memref<64x128xf32, #tpu.memory_space<hbm>>
    tpu.enqueue_dma source(%dma_start3A_65 : memref<64x128xf32, #tpu.memory_space<hbm>>) target(%arg6 : memref<64x128xf32, #tpu.memory_space<vmem>>) target_semaphore(%arg12 : memref<!tpu.dma_semaphore, #tpu.memory_space<semaphore_mem>>)
    %scan3A = arith.constant 0 : i32
    %scan3A_66 = arith.constant 0 : i32
    %scan3A_67 = arith.constant 122 : i32
    %scan3A_68 = arith.addi %scan3A_66, %scan3A_67 : i32
    %scan3A_69 = arith.constant 1 : i32
    scf.for %scan3A_82 = %scan3A_66 to %scan3A_68 step %scan3A_69  : i32 {
      %mul3A_83 = arith.constant 2 : i32
      %mul3A_84 = arith.muli %mul3A_83, %scan3A_82 : i32
      %add3A_85 = arith.constant 1 : i32
      %add3A_86 = arith.addi %mul3A_84, %add3A_85 : i32
      %dma_wait3A_87 = arith.constant 0 : i32
      %dma_wait3A_88 = arith.constant 0 : i32
      %dma_wait3A_89 = tpu.memref_slice %arg2[%dma_wait3A_87, %dma_wait3A_88] : memref<64x1000000xf32, #tpu.memory_space<hbm>> -> memref<64x128xf32, #tpu.memory_space<hbm>>
      %dma_wait3A_90 = arith.constant 0 : i32
      %dma_wait3A_91 = arith.constant 0 : i32
      %dma_wait3A_92 = tpu.memref_slice %arg2[%dma_wait3A_90, %dma_wait3A_91] : memref<64x1000000xf32, #tpu.memory_space<hbm>> -> memref<64x128xf32, #tpu.memory_space<hbm>>
      tpu.wait_dma2 semaphore(%arg11 : memref<!tpu.dma_semaphore, #tpu.memory_space<semaphore_mem>>) src(%dma_wait3A_92 : memref<64x128xf32, #tpu.memory_space<hbm>>) dst(%arg5 : memref<64x128xf32, #tpu.memory_space<vmem>>)
      %parallel_loop3A = arith.constant 0 : i32
      %parallel_loop3A_93 = arith.constant 64 : i32
      %parallel_loop3A_94 = arith.constant 1 : i32
      scf.for %parallel_loop3A_151 = %parallel_loop3A to %parallel_loop3A_93 step %parallel_loop3A_94  : i32 {
        %parallel_loop3A_152 = arith.index_cast %parallel_loop3A_151 : i32 to index
        %parallel_loop3A_153 = arith.constant 0 : index
        %parallel_loop3A_154 = tpu.vector_load %arg5[%parallel_loop3A_152, %parallel_loop3A_153] {strides = array<i32>} : memref<64x128xf32, #tpu.memory_space<vmem>>, vector<16xf32>,
        %parallel_loop3A_155 = vector.broadcast %parallel_loop3A_151 : i32 to vector<16xi32>
        %parallel_loop3A_156 = arith.addi %mul3A_6, %parallel_loop3A_155 : vector<16xi32>
        tpu.vector_store_idx %arg7[%parallel_loop3A_156], %parallel_loop3A_154 : memref<17536xf32, #tpu.memory_space<vmem>>[vector<16xi32>], vector<16xf32>,
        %parallel_loop3A_157 = arith.index_cast %parallel_loop3A_151 : i32 to index
        %parallel_loop3A_158 = arith.constant 16 : index
        %parallel_loop3A_159 = tpu.vector_load %arg5[%parallel_loop3A_157, %parallel_loop3A_158] {strides = array<i32>} : memref<64x128xf32, #tpu.memory_space<vmem>>, vector<16xf32>,
        %parallel_loop3A_160 = vector.broadcast %parallel_loop3A_151 : i32 to vector<16xi32>
        %parallel_loop3A_161 = arith.addi %mul3A_12, %parallel_loop3A_160 : vector<16xi32>
        tpu.vector_store_idx %arg7[%parallel_loop3A_161], %parallel_loop3A_159 : memref<17536xf32, #tpu.memory_space<vmem>>[vector<16xi32>], vector<16xf32>,
        %parallel_loop3A_162 = arith.index_cast %parallel_loop3A_151 : i32 to index
        %parallel_loop3A_163 = arith.constant 32 : index
        %parallel_loop3A_164 = tpu.vector_load %arg5[%parallel_loop3A_162, %parallel_loop3A_163] {strides = array<i32>} : memref<64x128xf32, #tpu.memory_space<vmem>>, vector<16xf32>,
        %parallel_loop3A_165 = vector.broadcast %parallel_loop3A_151 : i32 to vector<16xi32>
        %parallel_loop3A_166 = arith.addi %mul3A_18, %parallel_loop3A_165 : vector<16xi32>
        tpu.vector_store_idx %arg7[%parallel_loop3A_166], %parallel_loop3A_164 : memref<17536xf32, #tpu.memory_space<vmem>>[vector<16xi32>], vector<16xf32>,
        %parallel_loop3A_167 = arith.index_cast %parallel_loop3A_151 : i32 to index
        %parallel_loop3A_168 = arith.constant 48 : index
        %parallel_loop3A_169 = tpu.vector_load %arg5[%parallel_loop3A_167, %parallel_loop3A_168] {strides = array<i32>} : memref<64x128xf32, #tpu.memory_space<vmem>>, vector<16xf32>,
        %parallel_loop3A_170 = vector.broadcast %parallel_loop3A_151 : i32 to vector<16xi32>
        %parallel_loop3A_171 = arith.addi %mul3A_24, %parallel_loop3A_170 : vector<16xi32>
        tpu.vector_store_idx %arg7[%parallel_loop3A_171], %parallel_loop3A_169 : memref<17536xf32, #tpu.memory_space<vmem>>[vector<16xi32>], vector<16xf32>,
        %parallel_loop3A_172 = arith.index_cast %parallel_loop3A_151 : i32 to index
        %parallel_loop3A_173 = arith.constant 64 : index
        %parallel_loop3A_174 = tpu.vector_load %arg5[%parallel_loop3A_172, %parallel_loop3A_173] {strides = array<i32>} : memref<64x128xf32, #tpu.memory_space<vmem>>, vector<16xf32>,
        %parallel_loop3A_175 = vector.broadcast %parallel_loop3A_151 : i32 to vector<16xi32>
        %parallel_loop3A_176 = arith.addi %mul3A_30, %parallel_loop3A_175 : vector<16xi32>
        tpu.vector_store_idx %arg7[%parallel_loop3A_176], %parallel_loop3A_174 : memref<17536xf32, #tpu.memory_space<vmem>>[vector<16xi32>], vector<16xf32>,
        %parallel_loop3A_177 = arith.index_cast %parallel_loop3A_151 : i32 to index
        %parallel_loop3A_178 = arith.constant 80 : index
        %parallel_loop3A_179 = tpu.vector_load %arg5[%parallel_loop3A_177, %parallel_loop3A_178] {strides = array<i32>} : memref<64x128xf32, #tpu.memory_space<vmem>>, vector<16xf32>,
        %parallel_loop3A_180 = vector.broadcast %parallel_loop3A_151 : i32 to vector<16xi32>
        %parallel_loop3A_181 = arith.addi %mul3A_36, %parallel_loop3A_180 : vector<16xi32>
        tpu.vector_store_idx %arg7[%parallel_loop3A_181], %parallel_loop3A_179 : memref<17536xf32, #tpu.memory_space<vmem>>[vector<16xi32>], vector<16xf32>,
        %parallel_loop3A_182 = arith.index_cast %parallel_loop3A_151 : i32 to index
        %parallel_loop3A_183 = arith.constant 96 : index
        %parallel_loop3A_184 = tpu.vector_load %arg5[%parallel_loop3A_182, %parallel_loop3A_183] {strides = array<i32>} : memref<64x128xf32, #tpu.memory_space<vmem>>, vector<16xf32>,
        %parallel_loop3A_185 = vector.broadcast %parallel_loop3A_151 : i32 to vector<16xi32>
        %parallel_loop3A_186 = arith.addi %mul3A_42, %parallel_loop3A_185 : vector<16xi32>
        tpu.vector_store_idx %arg7[%parallel_loop3A_186], %parallel_loop3A_184 : memref<17536xf32, #tpu.memory_space<vmem>>[vector<16xi32>], vector<16xf32>,
        %parallel_loop3A_187 = arith.index_cast %parallel_loop3A_151 : i32 to index
        %parallel_loop3A_188 = arith.constant 112 : index
        %parallel_loop3A_189 = tpu.vector_load %arg5[%parallel_loop3A_187, %parallel_loop3A_188] {strides = array<i32>} : memref<64x128xf32, #tpu.memory_space<vmem>>, vector<16xf32>,
        %parallel_loop3A_190 = vector.broadcast %parallel_loop3A_151 : i32 to vector<16xi32>
        %parallel_loop3A_191 = arith.addi %mul3A_48, %parallel_loop3A_190 : vector<16xi32>
        tpu.vector_store_idx %arg7[%parallel_loop3A_191], %parallel_loop3A_189 : memref<17536xf32, #tpu.memory_space<vmem>>[vector<16xi32>], vector<16xf32>,
      } {sc.loop_unroll_factor = 8 : i64, sc.parallel_access}
      %parallel_loop3A_95 = arith.constant 0 : i32
      %parallel_loop3A_96 = arith.constant 128 : i32
      %parallel_loop3A_97 = arith.constant 1 : i32
      scf.for %parallel_loop3A_151 = %parallel_loop3A_95 to %parallel_loop3A_96 step %parallel_loop3A_97  : i32 {
        %parallel_loop3A_152 = arith.constant 137 : i32
        %parallel_loop3A_153 = arith.muli %parallel_loop3A_151, %parallel_loop3A_152 : i32
        %parallel_loop3A_154 = arith.constant 0 : i32
        %parallel_loop3A_155 = arith.addi %parallel_loop3A_153, %parallel_loop3A_154 : i32
        %parallel_loop3A_156 = arith.index_cast %parallel_loop3A_155 : i32 to index
        %parallel_loop3A_157 = tpu.vector_load %arg7[%parallel_loop3A_156] {strides = array<i32>} : memref<17536xf32, #tpu.memory_space<vmem>>, vector<16xf32>,
        %parallel_loop3A_158 = arith.constant 64 : i32
        %parallel_loop3A_159 = arith.muli %parallel_loop3A_151, %parallel_loop3A_158 : i32
        %parallel_loop3A_160 = arith.constant 0 : i32
        %parallel_loop3A_161 = arith.addi %parallel_loop3A_159, %parallel_loop3A_160 : i32
        %parallel_loop3A_162 = arith.index_cast %parallel_loop3A_161 : i32 to index
        %parallel_loop3A_163 = tpu.vector_load %arg9[%parallel_loop3A_162] {strides = array<i32>} : memref<8192xf32, #tpu.memory_space<vmem>>, vector<16xf32>,
        tpu.vector_store %arg9[%parallel_loop3A_162], %parallel_loop3A_157 {strides = array<i32>} : memref<8192xf32, #tpu.memory_space<vmem>>, vector<16xf32>,
        %parallel_loop3A_164 = arith.constant 137 : i32
        %parallel_loop3A_165 = arith.muli %parallel_loop3A_151, %parallel_loop3A_164 : i32
        %parallel_loop3A_166 = arith.constant 16 : i32
        %parallel_loop3A_167 = arith.addi %parallel_loop3A_165, %parallel_loop3A_166 : i32
        %parallel_loop3A_168 = arith.index_cast %parallel_loop3A_167 : i32 to index
        %parallel_loop3A_169 = tpu.vector_load %arg7[%parallel_loop3A_168] {strides = array<i32>} : memref<17536xf32, #tpu.memory_space<vmem>>, vector<16xf32>,
        %parallel_loop3A_170 = arith.constant 64 : i32
        %parallel_loop3A_171 = arith.muli %parallel_loop3A_151, %parallel_loop3A_170 : i32
        %parallel_loop3A_172 = arith.constant 16 : i32
        %parallel_loop3A_173 = arith.addi %parallel_loop3A_171, %parallel_loop3A_172 : i32
        %parallel_loop3A_174 = arith.index_cast %parallel_loop3A_173 : i32 to index
        %parallel_loop3A_175 = tpu.vector_load %arg9[%parallel_loop3A_174] {strides = array<i32>} : memref<8192xf32, #tpu.memory_space<vmem>>, vector<16xf32>,
        tpu.vector_store %arg9[%parallel_loop3A_174], %parallel_loop3A_169 {strides = array<i32>} : memref<8192xf32, #tpu.memory_space<vmem>>, vector<16xf32>,
        %parallel_loop3A_176 = arith.constant 137 : i32
        %parallel_loop3A_177 = arith.muli %parallel_loop3A_151, %parallel_loop3A_176 : i32
        %parallel_loop3A_178 = arith.constant 32 : i32
        %parallel_loop3A_179 = arith.addi %parallel_loop3A_177, %parallel_loop3A_178 : i32
        %parallel_loop3A_180 = arith.index_cast %parallel_loop3A_179 : i32 to index
        %parallel_loop3A_181 = tpu.vector_load %arg7[%parallel_loop3A_180] {strides = array<i32>} : memref<17536xf32, #tpu.memory_space<vmem>>, vector<16xf32>,
        %parallel_loop3A_182 = arith.constant 64 : i32
        %parallel_loop3A_183 = arith.muli %parallel_loop3A_151, %parallel_loop3A_182 : i32
        %parallel_loop3A_184 = arith.constant 32 : i32
        %parallel_loop3A_185 = arith.addi %parallel_loop3A_183, %parallel_loop3A_184 : i32
        %parallel_loop3A_186 = arith.index_cast %parallel_loop3A_185 : i32 to index
        %parallel_loop3A_187 = tpu.vector_load %arg9[%parallel_loop3A_186] {strides = array<i32>} : memref<8192xf32, #tpu.memory_space<vmem>>, vector<16xf32>,
        tpu.vector_store %arg9[%parallel_loop3A_186], %parallel_loop3A_181 {strides = array<i32>} : memref<8192xf32, #tpu.memory_space<vmem>>, vector<16xf32>,
        %parallel_loop3A_188 = arith.constant 137 : i32
        %parallel_loop3A_189 = arith.muli %parallel_loop3A_151, %parallel_loop3A_188 : i32
        %parallel_loop3A_190 = arith.constant 48 : i32
        %parallel_loop3A_191 = arith.addi %parallel_loop3A_189, %parallel_loop3A_190 : i32
        %parallel_loop3A_192 = arith.index_cast %parallel_loop3A_191 : i32 to index
        %parallel_loop3A_193 = tpu.vector_load %arg7[%parallel_loop3A_192] {strides = array<i32>} : memref<17536xf32, #tpu.memory_space<vmem>>, vector<16xf32>,
        %parallel_loop3A_194 = arith.constant 64 : i32
        %parallel_loop3A_195 = arith.muli %parallel_loop3A_151, %parallel_loop3A_194 : i32
        %parallel_loop3A_196 = arith.constant 48 : i32
        %parallel_loop3A_197 = arith.addi %parallel_loop3A_195, %parallel_loop3A_196 : i32
        %parallel_loop3A_198 = arith.index_cast %parallel_loop3A_197 : i32 to index
        %parallel_loop3A_199 = tpu.vector_load %arg9[%parallel_loop3A_198] {strides = array<i32>} : memref<8192xf32, #tpu.memory_space<vmem>>, vector<16xf32>,
        tpu.vector_store %arg9[%parallel_loop3A_198], %parallel_loop3A_193 {strides = array<i32>} : memref<8192xf32, #tpu.memory_space<vmem>>, vector<16xf32>,
      } {sc.loop_unroll_factor = 8 : i64, sc.parallel_access}
      %add3A_98 = arith.constant 2 : i32
      %add3A_99 = arith.addi %mul3A_84, %add3A_98 : i32
      %lt3A_100 = arith.constant 244 : i32
      %lt3A_101 = arith.cmpi slt, %add3A_99, %lt3A_100 : i32
      %convert_element_type3A_102 = arith.extui %lt3A_101 : i1 to i32
      %cond3A_103 = arith.constant 0 : i32
      %cond3A_104 = arith.cmpi ne, %convert_element_type3A_102, %cond3A_103 : i32
      scf.if %cond3A_104 {
        %add3A_151 = arith.constant 2 : i32
        %add3A_152 = arith.addi %mul3A_84, %add3A_151 : i32
        %mul3A_153 = arith.constant 32 : i32
        %mul3A_154 = arith.muli %add3A_152, %mul3A_153 : i32
        %add3A_155 = arith.addi %mul3A_154, %add3A : i32
        %mul3A_156 = arith.constant 128 : i32
        %mul3A_157 = arith.muli %add3A_155, %mul3A_156 : i32
        %dma_start3A_158 = arith.constant 0 : i32
        %dma_start3A_159 = tpu.memref_slice %arg2[%dma_start3A_158, %mul3A_157] : memref<64x1000000xf32, #tpu.memory_space<hbm>> -> memref<64x128xf32, #tpu.memory_space<hbm>>
        %dma_start3A_160 = arith.constant 0 : i32
        %dma_start3A_161 = tpu.memref_slice %arg2[%dma_start3A_160, %mul3A_157] : memref<64x1000000xf32, #tpu.memory_space<hbm>> -> memref<64x128xf32, #tpu.memory_space<hbm>>
        tpu.enqueue_dma source(%dma_start3A_161 : memref<64x128xf32, #tpu.memory_space<hbm>>) target(%arg5 : memref<64x128xf32, #tpu.memory_space<vmem>>) target_semaphore(%arg11 : memref<!tpu.dma_semaphore, #tpu.memory_space<semaphore_mem>>)
      } else {
      }
      %gt3A = arith.constant 0 : i32
      %gt3A_105 = arith.cmpi sgt, %mul3A_84, %gt3A : i32
      %convert_element_type3A_106 = arith.extui %gt3A_105 : i1 to i32
      %cond3A_107 = arith.constant 0 : i32
      %cond3A_108 = arith.cmpi ne, %convert_element_type3A_106, %cond3A_107 : i32
      scf.if %cond3A_108 {
        %dma_wait3A_151 = arith.constant 0 : i32
        %dma_wait3A_152 = tpu.memref_slice %arg4[%dma_wait3A_151] : memref<64000000xf32, #tpu.memory_space<hbm>> -> memref<8192xf32, #tpu.memory_space<hbm>>
        %dma_wait3A_153 = arith.constant 0 : i32
        %dma_wait3A_154 = tpu.memref_slice %arg4[%dma_wait3A_153] : memref<64000000xf32, #tpu.memory_space<hbm>> -> memref<8192xf32, #tpu.memory_space<hbm>>
        tpu.wait_dma2 semaphore(%arg13 : memref<!tpu.dma_semaphore, #tpu.memory_space<semaphore_mem>>) src(%arg9 : memref<8192xf32, #tpu.memory_space<vmem>>) dst(%dma_wait3A_154 : memref<8192xf32, #tpu.memory_space<hbm>>)
      } else {
      }
      %mul3A_109 = arith.constant 32 : i32
      %mul3A_110 = arith.muli %mul3A_84, %mul3A_109 : i32
      %add3A_111 = arith.addi %mul3A_110, %add3A : i32
      %mul3A_112 = arith.constant 128 : i32
      %mul3A_113 = arith.muli %add3A_111, %mul3A_112 : i32
      %mul3A_114 = arith.constant 64 : i32
      %mul3A_115 = arith.muli %mul3A_113, %mul3A_114 : i32
      %dma_start3A_116 = tpu.memref_slice %arg4[%mul3A_115] : memref<64000000xf32, #tpu.memory_space<hbm>> -> memref<8192xf32, #tpu.memory_space<hbm>>
      %dma_start3A_117 = tpu.memref_slice %arg4[%mul3A_115] : memref<64000000xf32, #tpu.memory_space<hbm>> -> memref<8192xf32, #tpu.memory_space<hbm>>
      tpu.enqueue_dma source(%arg9 : memref<8192xf32, #tpu.memory_space<vmem>>) target(%dma_start3A_117 : memref<8192xf32, #tpu.memory_space<hbm>>) target_semaphore(%arg13 : memref<!tpu.dma_semaphore, #tpu.memory_space<semaphore_mem>>)
      %dma_wait3A_118 = arith.constant 0 : i32
      %dma_wait3A_119 = arith.constant 0 : i32
      %dma_wait3A_120 = tpu.memref_slice %arg2[%dma_wait3A_118, %dma_wait3A_119] : memref<64x1000000xf32, #tpu.memory_space<hbm>> -> memref<64x128xf32, #tpu.memory_space<hbm>>
      %dma_wait3A_121 = arith.constant 0 : i32
      %dma_wait3A_122 = arith.constant 0 : i32
      %dma_wait3A_123 = tpu.memref_slice %arg2[%dma_wait3A_121, %dma_wait3A_122] : memref<64x1000000xf32, #tpu.memory_space<hbm>> -> memref<64x128xf32, #tpu.memory_space<hbm>>
      tpu.wait_dma2 semaphore(%arg12 : memref<!tpu.dma_semaphore, #tpu.memory_space<semaphore_mem>>) src(%dma_wait3A_123 : memref<64x128xf32, #tpu.memory_space<hbm>>) dst(%arg6 : memref<64x128xf32, #tpu.memory_space<vmem>>)
      %parallel_loop3A_124 = arith.constant 0 : i32
      %parallel_loop3A_125 = arith.constant 64 : i32
      %parallel_loop3A_126 = arith.constant 1 : i32
      scf.for %parallel_loop3A_151 = %parallel_loop3A_124 to %parallel_loop3A_125 step %parallel_loop3A_126  : i32 {
        %parallel_loop3A_152 = arith.index_cast %parallel_loop3A_151 : i32 to index
        %parallel_loop3A_153 = arith.constant 0 : index
        %parallel_loop3A_154 = tpu.vector_load %arg6[%parallel_loop3A_152, %parallel_loop3A_153] {strides = array<i32>} : memref<64x128xf32, #tpu.memory_space<vmem>>, vector<16xf32>,
        %parallel_loop3A_155 = vector.broadcast %parallel_loop3A_151 : i32 to vector<16xi32>
        %parallel_loop3A_156 = arith.addi %mul3A_6, %parallel_loop3A_155 : vector<16xi32>
        tpu.vector_store_idx %arg8[%parallel_loop3A_156], %parallel_loop3A_154 : memref<17536xf32, #tpu.memory_space<vmem>>[vector<16xi32>], vector<16xf32>,
        %parallel_loop3A_157 = arith.index_cast %parallel_loop3A_151 : i32 to index
        %parallel_loop3A_158 = arith.constant 16 : index
        %parallel_loop3A_159 = tpu.vector_load %arg6[%parallel_loop3A_157, %parallel_loop3A_158] {strides = array<i32>} : memref<64x128xf32, #tpu.memory_space<vmem>>, vector<16xf32>,
        %parallel_loop3A_160 = vector.broadcast %parallel_loop3A_151 : i32 to vector<16xi32>
        %parallel_loop3A_161 = arith.addi %mul3A_12, %parallel_loop3A_160 : vector<16xi32>
        tpu.vector_store_idx %arg8[%parallel_loop3A_161], %parallel_loop3A_159 : memref<17536xf32, #tpu.memory_space<vmem>>[vector<16xi32>], vector<16xf32>,
        %parallel_loop3A_162 = arith.index_cast %parallel_loop3A_151 : i32 to index
        %parallel_loop3A_163 = arith.constant 32 : index
        %parallel_loop3A_164 = tpu.vector_load %arg6[%parallel_loop3A_162, %parallel_loop3A_163] {strides = array<i32>} : memref<64x128xf32, #tpu.memory_space<vmem>>, vector<16xf32>,
        %parallel_loop3A_165 = vector.broadcast %parallel_loop3A_151 : i32 to vector<16xi32>
        %parallel_loop3A_166 = arith.addi %mul3A_18, %parallel_loop3A_165 : vector<16xi32>
        tpu.vector_store_idx %arg8[%parallel_loop3A_166], %parallel_loop3A_164 : memref<17536xf32, #tpu.memory_space<vmem>>[vector<16xi32>], vector<16xf32>,
        %parallel_loop3A_167 = arith.index_cast %parallel_loop3A_151 : i32 to index
        %parallel_loop3A_168 = arith.constant 48 : index
        %parallel_loop3A_169 = tpu.vector_load %arg6[%parallel_loop3A_167, %parallel_loop3A_168] {strides = array<i32>} : memref<64x128xf32, #tpu.memory_space<vmem>>, vector<16xf32>,
        %parallel_loop3A_170 = vector.broadcast %parallel_loop3A_151 : i32 to vector<16xi32>
        %parallel_loop3A_171 = arith.addi %mul3A_24, %parallel_loop3A_170 : vector<16xi32>
        tpu.vector_store_idx %arg8[%parallel_loop3A_171], %parallel_loop3A_169 : memref<17536xf32, #tpu.memory_space<vmem>>[vector<16xi32>], vector<16xf32>,
        %parallel_loop3A_172 = arith.index_cast %parallel_loop3A_151 : i32 to index
        %parallel_loop3A_173 = arith.constant 64 : index
        %parallel_loop3A_174 = tpu.vector_load %arg6[%parallel_loop3A_172, %parallel_loop3A_173] {strides = array<i32>} : memref<64x128xf32, #tpu.memory_space<vmem>>, vector<16xf32>,
        %parallel_loop3A_175 = vector.broadcast %parallel_loop3A_151 : i32 to vector<16xi32>
        %parallel_loop3A_176 = arith.addi %mul3A_30, %parallel_loop3A_175 : vector<16xi32>
        tpu.vector_store_idx %arg8[%parallel_loop3A_176], %parallel_loop3A_174 : memref<17536xf32, #tpu.memory_space<vmem>>[vector<16xi32>], vector<16xf32>,
        %parallel_loop3A_177 = arith.index_cast %parallel_loop3A_151 : i32 to index
        %parallel_loop3A_178 = arith.constant 80 : index
        %parallel_loop3A_179 = tpu.vector_load %arg6[%parallel_loop3A_177, %parallel_loop3A_178] {strides = array<i32>} : memref<64x128xf32, #tpu.memory_space<vmem>>, vector<16xf32>,
        %parallel_loop3A_180 = vector.broadcast %parallel_loop3A_151 : i32 to vector<16xi32>
        %parallel_loop3A_181 = arith.addi %mul3A_36, %parallel_loop3A_180 : vector<16xi32>
        tpu.vector_store_idx %arg8[%parallel_loop3A_181], %parallel_loop3A_179 : memref<17536xf32, #tpu.memory_space<vmem>>[vector<16xi32>], vector<16xf32>,
        %parallel_loop3A_182 = arith.index_cast %parallel_loop3A_151 : i32 to index
        %parallel_loop3A_183 = arith.constant 96 : index
        %parallel_loop3A_184 = tpu.vector_load %arg6[%parallel_loop3A_182, %parallel_loop3A_183] {strides = array<i32>} : memref<64x128xf32, #tpu.memory_space<vmem>>, vector<16xf32>,
        %parallel_loop3A_185 = vector.broadcast %parallel_loop3A_151 : i32 to vector<16xi32>
        %parallel_loop3A_186 = arith.addi %mul3A_42, %parallel_loop3A_185 : vector<16xi32>
        tpu.vector_store_idx %arg8[%parallel_loop3A_186], %parallel_loop3A_184 : memref<17536xf32, #tpu.memory_space<vmem>>[vector<16xi32>], vector<16xf32>,
        %parallel_loop3A_187 = arith.index_cast %parallel_loop3A_151 : i32 to index
        %parallel_loop3A_188 = arith.constant 112 : index
        %parallel_loop3A_189 = tpu.vector_load %arg6[%parallel_loop3A_187, %parallel_loop3A_188] {strides = array<i32>} : memref<64x128xf32, #tpu.memory_space<vmem>>, vector<16xf32>,
        %parallel_loop3A_190 = vector.broadcast %parallel_loop3A_151 : i32 to vector<16xi32>
        %parallel_loop3A_191 = arith.addi %mul3A_48, %parallel_loop3A_190 : vector<16xi32>
        tpu.vector_store_idx %arg8[%parallel_loop3A_191], %parallel_loop3A_189 : memref<17536xf32, #tpu.memory_space<vmem>>[vector<16xi32>], vector<16xf32>,
      } {sc.loop_unroll_factor = 8 : i64, sc.parallel_access}
      %parallel_loop3A_127 = arith.constant 0 : i32
      %parallel_loop3A_128 = arith.constant 128 : i32
      %parallel_loop3A_129 = arith.constant 1 : i32
      scf.for %parallel_loop3A_151 = %parallel_loop3A_127 to %parallel_loop3A_128 step %parallel_loop3A_129  : i32 {
        %parallel_loop3A_152 = arith.constant 137 : i32
        %parallel_loop3A_153 = arith.muli %parallel_loop3A_151, %parallel_loop3A_152 : i32
        %parallel_loop3A_154 = arith.constant 0 : i32
        %parallel_loop3A_155 = arith.addi %parallel_loop3A_153, %parallel_loop3A_154 : i32
        %parallel_loop3A_156 = arith.index_cast %parallel_loop3A_155 : i32 to index
        %parallel_loop3A_157 = tpu.vector_load %arg8[%parallel_loop3A_156] {strides = array<i32>} : memref<17536xf32, #tpu.memory_space<vmem>>, vector<16xf32>,
        %parallel_loop3A_158 = arith.constant 64 : i32
        %parallel_loop3A_159 = arith.muli %parallel_loop3A_151, %parallel_loop3A_158 : i32
        %parallel_loop3A_160 = arith.constant 0 : i32
        %parallel_loop3A_161 = arith.addi %parallel_loop3A_159, %parallel_loop3A_160 : i32
        %parallel_loop3A_162 = arith.index_cast %parallel_loop3A_161 : i32 to index
        %parallel_loop3A_163 = tpu.vector_load %arg10[%parallel_loop3A_162] {strides = array<i32>} : memref<8192xf32, #tpu.memory_space<vmem>>, vector<16xf32>,
        tpu.vector_store %arg10[%parallel_loop3A_162], %parallel_loop3A_157 {strides = array<i32>} : memref<8192xf32, #tpu.memory_space<vmem>>, vector<16xf32>,
        %parallel_loop3A_164 = arith.constant 137 : i32
        %parallel_loop3A_165 = arith.muli %parallel_loop3A_151, %parallel_loop3A_164 : i32
        %parallel_loop3A_166 = arith.constant 16 : i32
        %parallel_loop3A_167 = arith.addi %parallel_loop3A_165, %parallel_loop3A_166 : i32
        %parallel_loop3A_168 = arith.index_cast %parallel_loop3A_167 : i32 to index
        %parallel_loop3A_169 = tpu.vector_load %arg8[%parallel_loop3A_168] {strides = array<i32>} : memref<17536xf32, #tpu.memory_space<vmem>>, vector<16xf32>,
        %parallel_loop3A_170 = arith.constant 64 : i32
        %parallel_loop3A_171 = arith.muli %parallel_loop3A_151, %parallel_loop3A_170 : i32
        %parallel_loop3A_172 = arith.constant 16 : i32
        %parallel_loop3A_173 = arith.addi %parallel_loop3A_171, %parallel_loop3A_172 : i32
        %parallel_loop3A_174 = arith.index_cast %parallel_loop3A_173 : i32 to index
        %parallel_loop3A_175 = tpu.vector_load %arg10[%parallel_loop3A_174] {strides = array<i32>} : memref<8192xf32, #tpu.memory_space<vmem>>, vector<16xf32>,
        tpu.vector_store %arg10[%parallel_loop3A_174], %parallel_loop3A_169 {strides = array<i32>} : memref<8192xf32, #tpu.memory_space<vmem>>, vector<16xf32>,
        %parallel_loop3A_176 = arith.constant 137 : i32
        %parallel_loop3A_177 = arith.muli %parallel_loop3A_151, %parallel_loop3A_176 : i32
        %parallel_loop3A_178 = arith.constant 32 : i32
        %parallel_loop3A_179 = arith.addi %parallel_loop3A_177, %parallel_loop3A_178 : i32
        %parallel_loop3A_180 = arith.index_cast %parallel_loop3A_179 : i32 to index
        %parallel_loop3A_181 = tpu.vector_load %arg8[%parallel_loop3A_180] {strides = array<i32>} : memref<17536xf32, #tpu.memory_space<vmem>>, vector<16xf32>,
        %parallel_loop3A_182 = arith.constant 64 : i32
        %parallel_loop3A_183 = arith.muli %parallel_loop3A_151, %parallel_loop3A_182 : i32
        %parallel_loop3A_184 = arith.constant 32 : i32
        %parallel_loop3A_185 = arith.addi %parallel_loop3A_183, %parallel_loop3A_184 : i32
        %parallel_loop3A_186 = arith.index_cast %parallel_loop3A_185 : i32 to index
        %parallel_loop3A_187 = tpu.vector_load %arg10[%parallel_loop3A_186] {strides = array<i32>} : memref<8192xf32, #tpu.memory_space<vmem>>, vector<16xf32>,
        tpu.vector_store %arg10[%parallel_loop3A_186], %parallel_loop3A_181 {strides = array<i32>} : memref<8192xf32, #tpu.memory_space<vmem>>, vector<16xf32>,
        %parallel_loop3A_188 = arith.constant 137 : i32
        %parallel_loop3A_189 = arith.muli %parallel_loop3A_151, %parallel_loop3A_188 : i32
        %parallel_loop3A_190 = arith.constant 48 : i32
        %parallel_loop3A_191 = arith.addi %parallel_loop3A_189, %parallel_loop3A_190 : i32
        %parallel_loop3A_192 = arith.index_cast %parallel_loop3A_191 : i32 to index
        %parallel_loop3A_193 = tpu.vector_load %arg8[%parallel_loop3A_192] {strides = array<i32>} : memref<17536xf32, #tpu.memory_space<vmem>>, vector<16xf32>,
        %parallel_loop3A_194 = arith.constant 64 : i32
        %parallel_loop3A_195 = arith.muli %parallel_loop3A_151, %parallel_loop3A_194 : i32
        %parallel_loop3A_196 = arith.constant 48 : i32
        %parallel_loop3A_197 = arith.addi %parallel_loop3A_195, %parallel_loop3A_196 : i32
        %parallel_loop3A_198 = arith.index_cast %parallel_loop3A_197 : i32 to index
        %parallel_loop3A_199 = tpu.vector_load %arg10[%parallel_loop3A_198] {strides = array<i32>} : memref<8192xf32, #tpu.memory_space<vmem>>, vector<16xf32>,
        tpu.vector_store %arg10[%parallel_loop3A_198], %parallel_loop3A_193 {strides = array<i32>} : memref<8192xf32, #tpu.memory_space<vmem>>, vector<16xf32>,
      } {sc.loop_unroll_factor = 8 : i64, sc.parallel_access}
      %add3A_130 = arith.constant 2 : i32
      %add3A_131 = arith.addi %add3A_86, %add3A_130 : i32
      %lt3A_132 = arith.constant 244 : i32
      %lt3A_133 = arith.cmpi slt, %add3A_131, %lt3A_132 : i32
      %convert_element_type3A_134 = arith.extui %lt3A_133 : i1 to i32
      %cond3A_135 = arith.constant 0 : i32
      %cond3A_136 = arith.cmpi ne, %convert_element_type3A_134, %cond3A_135 : i32
      scf.if %cond3A_136 {
        %add3A_151 = arith.constant 2 : i32
        %add3A_152 = arith.addi %add3A_86, %add3A_151 : i32
        %mul3A_153 = arith.constant 32 : i32
        %mul3A_154 = arith.muli %add3A_152, %mul3A_153 : i32
        %add3A_155 = arith.addi %mul3A_154, %add3A : i32
        %mul3A_156 = arith.constant 128 : i32
        %mul3A_157 = arith.muli %add3A_155, %mul3A_156 : i32
        %dma_start3A_158 = arith.constant 0 : i32
        %dma_start3A_159 = tpu.memref_slice %arg2[%dma_start3A_158, %mul3A_157] : memref<64x1000000xf32, #tpu.memory_space<hbm>> -> memref<64x128xf32, #tpu.memory_space<hbm>>
        %dma_start3A_160 = arith.constant 0 : i32
        %dma_start3A_161 = tpu.memref_slice %arg2[%dma_start3A_160, %mul3A_157] : memref<64x1000000xf32, #tpu.memory_space<hbm>> -> memref<64x128xf32, #tpu.memory_space<hbm>>
        tpu.enqueue_dma source(%dma_start3A_161 : memref<64x128xf32, #tpu.memory_space<hbm>>) target(%arg6 : memref<64x128xf32, #tpu.memory_space<vmem>>) target_semaphore(%arg12 : memref<!tpu.dma_semaphore, #tpu.memory_space<semaphore_mem>>)
      } else {
      }
      %gt3A_137 = arith.constant 1 : i32
      %gt3A_138 = arith.cmpi sgt, %add3A_86, %gt3A_137 : i32
      %convert_element_type3A_139 = arith.extui %gt3A_138 : i1 to i32
      %cond3A_140 = arith.constant 0 : i32
      %cond3A_141 = arith.cmpi ne, %convert_element_type3A_139, %cond3A_140 : i32
      scf.if %cond3A_141 {
        %dma_wait3A_151 = arith.constant 0 : i32
        %dma_wait3A_152 = tpu.memref_slice %arg4[%dma_wait3A_151] : memref<64000000xf32, #tpu.memory_space<hbm>> -> memref<8192xf32, #tpu.memory_space<hbm>>
        %dma_wait3A_153 = arith.constant 0 : i32
        %dma_wait3A_154 = tpu.memref_slice %arg4[%dma_wait3A_153] : memref<64000000xf32, #tpu.memory_space<hbm>> -> memref<8192xf32, #tpu.memory_space<hbm>>
        tpu.wait_dma2 semaphore(%arg14 : memref<!tpu.dma_semaphore, #tpu.memory_space<semaphore_mem>>) src(%arg10 : memref<8192xf32, #tpu.memory_space<vmem>>) dst(%dma_wait3A_154 : memref<8192xf32, #tpu.memory_space<hbm>>)
      } else {
      }
      %mul3A_142 = arith.constant 32 : i32
      %mul3A_143 = arith.muli %add3A_86, %mul3A_142 : i32
      %add3A_144 = arith.addi %mul3A_143, %add3A : i32
      %mul3A_145 = arith.constant 128 : i32
      %mul3A_146 = arith.muli %add3A_144, %mul3A_145 : i32
      %mul3A_147 = arith.constant 64 : i32
      %mul3A_148 = arith.muli %mul3A_146, %mul3A_147 : i32
      %dma_start3A_149 = tpu.memref_slice %arg4[%mul3A_148] : memref<64000000xf32, #tpu.memory_space<hbm>> -> memref<8192xf32, #tpu.memory_space<hbm>>
      %dma_start3A_150 = tpu.memref_slice %arg4[%mul3A_148] : memref<64000000xf32, #tpu.memory_space<hbm>> -> memref<8192xf32, #tpu.memory_space<hbm>>
      tpu.enqueue_dma source(%arg10 : memref<8192xf32, #tpu.memory_space<vmem>>) target(%dma_start3A_150 : memref<8192xf32, #tpu.memory_space<hbm>>) target_semaphore(%arg14 : memref<!tpu.dma_semaphore, #tpu.memory_space<semaphore_mem>>)
    }
    %scan3A_70 = arith.constant 122 : i32
    %lt3A = arith.constant 4 : i32
    %lt3A_71 = arith.cmpi slt, %add3A, %lt3A : i32
    %convert_element_type3A_72 = arith.extui %lt3A_71 : i1 to i32
    %cond3A_73 = arith.constant 0 : i32
    %cond3A_74 = arith.cmpi ne, %convert_element_type3A_72, %cond3A_73 : i32
    scf.if %cond3A_74 {
      %add3A_82 = arith.constant 7808 : i32
      %add3A_83 = arith.addi %add3A_82, %add3A : i32
      %mul3A_84 = arith.constant 128 : i32
      %mul3A_85 = arith.muli %add3A_83, %mul3A_84 : i32
      "tpu.region"() ({
        %run_scoped3A = tpu.sem_alloc : memref<!tpu.dma_semaphore, #tpu.memory_space<semaphore_mem>>
        %dma_start3A_101 = arith.constant 0 : i32
        %dma_start3A_102 = tpu.memref_slice %arg2[%dma_start3A_101, %mul3A_85] : memref<64x1000000xf32, #tpu.memory_space<hbm>> -> memref<64x128xf32, #tpu.memory_space<hbm>>
        %dma_start3A_103 = arith.constant 0 : i32
        %dma_start3A_104 = tpu.memref_slice %arg2[%dma_start3A_103, %mul3A_85] : memref<64x1000000xf32, #tpu.memory_space<hbm>> -> memref<64x128xf32, #tpu.memory_space<hbm>>
        tpu.enqueue_dma source(%dma_start3A_104 : memref<64x128xf32, #tpu.memory_space<hbm>>) target(%arg5 : memref<64x128xf32, #tpu.memory_space<vmem>>) target_semaphore(%run_scoped3A : memref<!tpu.dma_semaphore, #tpu.memory_space<semaphore_mem>>)
        %dma_wait3A_105 = arith.constant 0 : i32
        %dma_wait3A_106 = tpu.memref_slice %arg2[%dma_wait3A_105, %mul3A_85] : memref<64x1000000xf32, #tpu.memory_space<hbm>> -> memref<64x128xf32, #tpu.memory_space<hbm>>
        %dma_wait3A_107 = arith.constant 0 : i32
        %dma_wait3A_108 = tpu.memref_slice %arg2[%dma_wait3A_107, %mul3A_85] : memref<64x1000000xf32, #tpu.memory_space<hbm>> -> memref<64x128xf32, #tpu.memory_space<hbm>>
        tpu.wait_dma2 semaphore(%run_scoped3A : memref<!tpu.dma_semaphore, #tpu.memory_space<semaphore_mem>>) src(%dma_wait3A_108 : memref<64x128xf32, #tpu.memory_space<hbm>>) dst(%arg5 : memref<64x128xf32, #tpu.memory_space<vmem>>)
        tpu.yield
      }) : () -> ()
      %dma_wait3A_86 = arith.constant 0 : i32
      %dma_wait3A_87 = tpu.memref_slice %arg4[%dma_wait3A_86] : memref<64000000xf32, #tpu.memory_space<hbm>> -> memref<8192xf32, #tpu.memory_space<hbm>>
      %dma_wait3A_88 = arith.constant 0 : i32
      %dma_wait3A_89 = tpu.memref_slice %arg4[%dma_wait3A_88] : memref<64000000xf32, #tpu.memory_space<hbm>> -> memref<8192xf32, #tpu.memory_space<hbm>>
      tpu.wait_dma2 semaphore(%arg13 : memref<!tpu.dma_semaphore, #tpu.memory_space<semaphore_mem>>) src(%arg9 : memref<8192xf32, #tpu.memory_space<vmem>>) dst(%dma_wait3A_89 : memref<8192xf32, #tpu.memory_space<hbm>>)
      %parallel_loop3A = arith.constant 0 : i32
      %parallel_loop3A_90 = arith.constant 64 : i32
      %parallel_loop3A_91 = arith.constant 1 : i32
      scf.for %parallel_loop3A_101 = %parallel_loop3A to %parallel_loop3A_90 step %parallel_loop3A_91  : i32 {
        %parallel_loop3A_102 = arith.index_cast %parallel_loop3A_101 : i32 to index
        %parallel_loop3A_103 = arith.constant 0 : index
        %parallel_loop3A_104 = tpu.vector_load %arg5[%parallel_loop3A_102, %parallel_loop3A_103] {strides = array<i32>} : memref<64x128xf32, #tpu.memory_space<vmem>>, vector<16xf32>,
        %parallel_loop3A_105 = vector.broadcast %parallel_loop3A_101 : i32 to vector<16xi32>
        %parallel_loop3A_106 = arith.addi %mul3A_6, %parallel_loop3A_105 : vector<16xi32>
        tpu.vector_store_idx %arg7[%parallel_loop3A_106], %parallel_loop3A_104 : memref<17536xf32, #tpu.memory_space<vmem>>[vector<16xi32>], vector<16xf32>,
        %parallel_loop3A_107 = arith.index_cast %parallel_loop3A_101 : i32 to index
        %parallel_loop3A_108 = arith.constant 16 : index
        %parallel_loop3A_109 = tpu.vector_load %arg5[%parallel_loop3A_107, %parallel_loop3A_108] {strides = array<i32>} : memref<64x128xf32, #tpu.memory_space<vmem>>, vector<16xf32>,
        %parallel_loop3A_110 = vector.broadcast %parallel_loop3A_101 : i32 to vector<16xi32>
        %parallel_loop3A_111 = arith.addi %mul3A_12, %parallel_loop3A_110 : vector<16xi32>
        tpu.vector_store_idx %arg7[%parallel_loop3A_111], %parallel_loop3A_109 : memref<17536xf32, #tpu.memory_space<vmem>>[vector<16xi32>], vector<16xf32>,
        %parallel_loop3A_112 = arith.index_cast %parallel_loop3A_101 : i32 to index
        %parallel_loop3A_113 = arith.constant 32 : index
        %parallel_loop3A_114 = tpu.vector_load %arg5[%parallel_loop3A_112, %parallel_loop3A_113] {strides = array<i32>} : memref<64x128xf32, #tpu.memory_space<vmem>>, vector<16xf32>,
        %parallel_loop3A_115 = vector.broadcast %parallel_loop3A_101 : i32 to vector<16xi32>
        %parallel_loop3A_116 = arith.addi %mul3A_18, %parallel_loop3A_115 : vector<16xi32>
        tpu.vector_store_idx %arg7[%parallel_loop3A_116], %parallel_loop3A_114 : memref<17536xf32, #tpu.memory_space<vmem>>[vector<16xi32>], vector<16xf32>,
        %parallel_loop3A_117 = arith.index_cast %parallel_loop3A_101 : i32 to index
        %parallel_loop3A_118 = arith.constant 48 : index
        %parallel_loop3A_119 = tpu.vector_load %arg5[%parallel_loop3A_117, %parallel_loop3A_118] {strides = array<i32>} : memref<64x128xf32, #tpu.memory_space<vmem>>, vector<16xf32>,
        %parallel_loop3A_120 = vector.broadcast %parallel_loop3A_101 : i32 to vector<16xi32>
        %parallel_loop3A_121 = arith.addi %mul3A_24, %parallel_loop3A_120 : vector<16xi32>
        tpu.vector_store_idx %arg7[%parallel_loop3A_121], %parallel_loop3A_119 : memref<17536xf32, #tpu.memory_space<vmem>>[vector<16xi32>], vector<16xf32>,
        %parallel_loop3A_122 = arith.index_cast %parallel_loop3A_101 : i32 to index
        %parallel_loop3A_123 = arith.constant 64 : index
        %parallel_loop3A_124 = tpu.vector_load %arg5[%parallel_loop3A_122, %parallel_loop3A_123] {strides = array<i32>} : memref<64x128xf32, #tpu.memory_space<vmem>>, vector<16xf32>,
        %parallel_loop3A_125 = vector.broadcast %parallel_loop3A_101 : i32 to vector<16xi32>
        %parallel_loop3A_126 = arith.addi %mul3A_30, %parallel_loop3A_125 : vector<16xi32>
        tpu.vector_store_idx %arg7[%parallel_loop3A_126], %parallel_loop3A_124 : memref<17536xf32, #tpu.memory_space<vmem>>[vector<16xi32>], vector<16xf32>,
        %parallel_loop3A_127 = arith.index_cast %parallel_loop3A_101 : i32 to index
        %parallel_loop3A_128 = arith.constant 80 : index
        %parallel_loop3A_129 = tpu.vector_load %arg5[%parallel_loop3A_127, %parallel_loop3A_128] {strides = array<i32>} : memref<64x128xf32, #tpu.memory_space<vmem>>, vector<16xf32>,
        %parallel_loop3A_130 = vector.broadcast %parallel_loop3A_101 : i32 to vector<16xi32>
        %parallel_loop3A_131 = arith.addi %mul3A_36, %parallel_loop3A_130 : vector<16xi32>
        tpu.vector_store_idx %arg7[%parallel_loop3A_131], %parallel_loop3A_129 : memref<17536xf32, #tpu.memory_space<vmem>>[vector<16xi32>], vector<16xf32>,
        %parallel_loop3A_132 = arith.index_cast %parallel_loop3A_101 : i32 to index
        %parallel_loop3A_133 = arith.constant 96 : index
        %parallel_loop3A_134 = tpu.vector_load %arg5[%parallel_loop3A_132, %parallel_loop3A_133] {strides = array<i32>} : memref<64x128xf32, #tpu.memory_space<vmem>>, vector<16xf32>,
        %parallel_loop3A_135 = vector.broadcast %parallel_loop3A_101 : i32 to vector<16xi32>
        %parallel_loop3A_136 = arith.addi %mul3A_42, %parallel_loop3A_135 : vector<16xi32>
        tpu.vector_store_idx %arg7[%parallel_loop3A_136], %parallel_loop3A_134 : memref<17536xf32, #tpu.memory_space<vmem>>[vector<16xi32>], vector<16xf32>,
        %parallel_loop3A_137 = arith.index_cast %parallel_loop3A_101 : i32 to index
        %parallel_loop3A_138 = arith.constant 112 : index
        %parallel_loop3A_139 = tpu.vector_load %arg5[%parallel_loop3A_137, %parallel_loop3A_138] {strides = array<i32>} : memref<64x128xf32, #tpu.memory_space<vmem>>, vector<16xf32>,
        %parallel_loop3A_140 = vector.broadcast %parallel_loop3A_101 : i32 to vector<16xi32>
        %parallel_loop3A_141 = arith.addi %mul3A_48, %parallel_loop3A_140 : vector<16xi32>
        tpu.vector_store_idx %arg7[%parallel_loop3A_141], %parallel_loop3A_139 : memref<17536xf32, #tpu.memory_space<vmem>>[vector<16xi32>], vector<16xf32>,
      } {sc.loop_unroll_factor = 8 : i64, sc.parallel_access}
      %parallel_loop3A_92 = arith.constant 0 : i32
      %parallel_loop3A_93 = arith.constant 128 : i32
      %parallel_loop3A_94 = arith.constant 1 : i32
      scf.for %parallel_loop3A_101 = %parallel_loop3A_92 to %parallel_loop3A_93 step %parallel_loop3A_94  : i32 {
        %parallel_loop3A_102 = arith.constant 137 : i32
        %parallel_loop3A_103 = arith.muli %parallel_loop3A_101, %parallel_loop3A_102 : i32
        %parallel_loop3A_104 = arith.constant 0 : i32
        %parallel_loop3A_105 = arith.addi %parallel_loop3A_103, %parallel_loop3A_104 : i32
        %parallel_loop3A_106 = arith.index_cast %parallel_loop3A_105 : i32 to index
        %parallel_loop3A_107 = tpu.vector_load %arg7[%parallel_loop3A_106] {strides = array<i32>} : memref<17536xf32, #tpu.memory_space<vmem>>, vector<16xf32>,
        %parallel_loop3A_108 = arith.constant 64 : i32
        %parallel_loop3A_109 = arith.muli %parallel_loop3A_101, %parallel_loop3A_108 : i32
        %parallel_loop3A_110 = arith.constant 0 : i32
        %parallel_loop3A_111 = arith.addi %parallel_loop3A_109, %parallel_loop3A_110 : i32
        %parallel_loop3A_112 = arith.index_cast %parallel_loop3A_111 : i32 to index
        %parallel_loop3A_113 = tpu.vector_load %arg9[%parallel_loop3A_112] {strides = array<i32>} : memref<8192xf32, #tpu.memory_space<vmem>>, vector<16xf32>,
        tpu.vector_store %arg9[%parallel_loop3A_112], %parallel_loop3A_107 {strides = array<i32>} : memref<8192xf32, #tpu.memory_space<vmem>>, vector<16xf32>,
        %parallel_loop3A_114 = arith.constant 137 : i32
        %parallel_loop3A_115 = arith.muli %parallel_loop3A_101, %parallel_loop3A_114 : i32
        %parallel_loop3A_116 = arith.constant 16 : i32
        %parallel_loop3A_117 = arith.addi %parallel_loop3A_115, %parallel_loop3A_116 : i32
        %parallel_loop3A_118 = arith.index_cast %parallel_loop3A_117 : i32 to index
        %parallel_loop3A_119 = tpu.vector_load %arg7[%parallel_loop3A_118] {strides = array<i32>} : memref<17536xf32, #tpu.memory_space<vmem>>, vector<16xf32>,
        %parallel_loop3A_120 = arith.constant 64 : i32
        %parallel_loop3A_121 = arith.muli %parallel_loop3A_101, %parallel_loop3A_120 : i32
        %parallel_loop3A_122 = arith.constant 16 : i32
        %parallel_loop3A_123 = arith.addi %parallel_loop3A_121, %parallel_loop3A_122 : i32
        %parallel_loop3A_124 = arith.index_cast %parallel_loop3A_123 : i32 to index
        %parallel_loop3A_125 = tpu.vector_load %arg9[%parallel_loop3A_124] {strides = array<i32>} : memref<8192xf32, #tpu.memory_space<vmem>>, vector<16xf32>,
        tpu.vector_store %arg9[%parallel_loop3A_124], %parallel_loop3A_119 {strides = array<i32>} : memref<8192xf32, #tpu.memory_space<vmem>>, vector<16xf32>,
        %parallel_loop3A_126 = arith.constant 137 : i32
        %parallel_loop3A_127 = arith.muli %parallel_loop3A_101, %parallel_loop3A_126 : i32
        %parallel_loop3A_128 = arith.constant 32 : i32
        %parallel_loop3A_129 = arith.addi %parallel_loop3A_127, %parallel_loop3A_128 : i32
        %parallel_loop3A_130 = arith.index_cast %parallel_loop3A_129 : i32 to index
        %parallel_loop3A_131 = tpu.vector_load %arg7[%parallel_loop3A_130] {strides = array<i32>} : memref<17536xf32, #tpu.memory_space<vmem>>, vector<16xf32>,
        %parallel_loop3A_132 = arith.constant 64 : i32
        %parallel_loop3A_133 = arith.muli %parallel_loop3A_101, %parallel_loop3A_132 : i32
        %parallel_loop3A_134 = arith.constant 32 : i32
        %parallel_loop3A_135 = arith.addi %parallel_loop3A_133, %parallel_loop3A_134 : i32
        %parallel_loop3A_136 = arith.index_cast %parallel_loop3A_135 : i32 to index
        %parallel_loop3A_137 = tpu.vector_load %arg9[%parallel_loop3A_136] {strides = array<i32>} : memref<8192xf32, #tpu.memory_space<vmem>>, vector<16xf32>,
        tpu.vector_store %arg9[%parallel_loop3A_136], %parallel_loop3A_131 {strides = array<i32>} : memref<8192xf32, #tpu.memory_space<vmem>>, vector<16xf32>,
        %parallel_loop3A_138 = arith.constant 137 : i32
        %parallel_loop3A_139 = arith.muli %parallel_loop3A_101, %parallel_loop3A_138 : i32
        %parallel_loop3A_140 = arith.constant 48 : i32
        %parallel_loop3A_141 = arith.addi %parallel_loop3A_139, %parallel_loop3A_140 : i32
        %parallel_loop3A_142 = arith.index_cast %parallel_loop3A_141 : i32 to index
        %parallel_loop3A_143 = tpu.vector_load %arg7[%parallel_loop3A_142] {strides = array<i32>} : memref<17536xf32, #tpu.memory_space<vmem>>, vector<16xf32>,
        %parallel_loop3A_144 = arith.constant 64 : i32
        %parallel_loop3A_145 = arith.muli %parallel_loop3A_101, %parallel_loop3A_144 : i32
        %parallel_loop3A_146 = arith.constant 48 : i32
        %parallel_loop3A_147 = arith.addi %parallel_loop3A_145, %parallel_loop3A_146 : i32
        %parallel_loop3A_148 = arith.index_cast %parallel_loop3A_147 : i32 to index
        %parallel_loop3A_149 = tpu.vector_load %arg9[%parallel_loop3A_148] {strides = array<i32>} : memref<8192xf32, #tpu.memory_space<vmem>>, vector<16xf32>,
        tpu.vector_store %arg9[%parallel_loop3A_148], %parallel_loop3A_143 {strides = array<i32>} : memref<8192xf32, #tpu.memory_space<vmem>>, vector<16xf32>,
      } {sc.loop_unroll_factor = 8 : i64, sc.parallel_access}
      %mul3A_95 = arith.constant 128 : i32
      %mul3A_96 = arith.muli %add3A_83, %mul3A_95 : i32
      %mul3A_97 = arith.constant 64 : i32
      %mul3A_98 = arith.muli %mul3A_96, %mul3A_97 : i32
      %dma_start3A_99 = tpu.memref_slice %arg4[%mul3A_98] : memref<64000000xf32, #tpu.memory_space<hbm>> -> memref<8192xf32, #tpu.memory_space<hbm>>
      %dma_start3A_100 = tpu.memref_slice %arg4[%mul3A_98] : memref<64000000xf32, #tpu.memory_space<hbm>> -> memref<8192xf32, #tpu.memory_space<hbm>>
      tpu.enqueue_dma source(%arg9 : memref<8192xf32, #tpu.memory_space<vmem>>) target(%dma_start3A_100 : memref<8192xf32, #tpu.memory_space<hbm>>) target_semaphore(%arg13 : memref<!tpu.dma_semaphore, #tpu.memory_space<semaphore_mem>>)
    } else {
    }
    %dma_wait3A = arith.constant 0 : i32
    %dma_wait3A_75 = tpu.memref_slice %arg4[%dma_wait3A] : memref<64000000xf32, #tpu.memory_space<hbm>> -> memref<8192xf32, #tpu.memory_space<hbm>>
    %dma_wait3A_76 = arith.constant 0 : i32
    %dma_wait3A_77 = tpu.memref_slice %arg4[%dma_wait3A_76] : memref<64000000xf32, #tpu.memory_space<hbm>> -> memref<8192xf32, #tpu.memory_space<hbm>>
    tpu.wait_dma2 semaphore(%arg13 : memref<!tpu.dma_semaphore, #tpu.memory_space<semaphore_mem>>) src(%arg9 : memref<8192xf32, #tpu.memory_space<vmem>>) dst(%dma_wait3A_77 : memref<8192xf32, #tpu.memory_space<hbm>>)
    %dma_wait3A_78 = arith.constant 0 : i32
    %dma_wait3A_79 = tpu.memref_slice %arg4[%dma_wait3A_78] : memref<64000000xf32, #tpu.memory_space<hbm>> -> memref<8192xf32, #tpu.memory_space<hbm>>
    %dma_wait3A_80 = arith.constant 0 : i32
    %dma_wait3A_81 = tpu.memref_slice %arg4[%dma_wait3A_80] : memref<64000000xf32, #tpu.memory_space<hbm>> -> memref<8192xf32, #tpu.memory_space<hbm>>
    tpu.wait_dma2 semaphore(%arg14 : memref<!tpu.dma_semaphore, #tpu.memory_space<semaphore_mem>>) src(%arg10 : memref<8192xf32, #tpu.memory_space<vmem>>) dst(%dma_wait3A_81 : memref<8192xf32, #tpu.memory_space<hbm>>)
    return
  }
}

</mosaic_0001>

<sc_bundles>
// kernel: _table_linearize.3.cloned.1.call-start
scs
__scs_entry_jumppad:
0x0: {  	(pc) =	sbr.rel $0x88, $3  }
0x1: {  	(tag) =	ssettag $0x0;
	lr =	simm.s32 $0x1  }
0x2: {  	[smem:$0x3F9F] =	sst lr;
	_ =	strace $0xD0000000  }
0x3: {  	_ = 	snop  }
0x4: {  	_ = 	snop  }
0x5: {  	_ = 	snop  }
0x6: {  	_ = 	snop  }
0x7: {  	_ = 	snop  }
__scs_overlays_trampoline_lowered:
0x8: {  	[smem:$0x3FAE] =	sst s0  }
0x9: {  	[smem:$0x3FAF] =	sst s1  }
0xa: {  	[smem:$0x3FB0] =	sst s2  }
0xb: {  	[smem:$0x3FB1] =	sst s3  }
0xc: {  	[smem:$0x3FB2] =	sst s4  }
0xd: {  	[smem:$0x3FB3] =	sst s5  }
0xe: {  	[smem:$0x3FB4] =	sst s6  }
0xf: {  	[smem:$0x3FB5] =	sst s7  }
0x10: {  	[smem:$0x3FB6] =	sst s8  }
0x11: {  	[smem:$0x3FB7] =	sst s9;
	s0 =	simm.s32 @!p0 $0x0  }
0x12: {  	s1 =	sld [smem:$0x3F9D];
	s0 =	simm.s32 @p0 $0x1  }
0x13: {  	[smem:$0x3FB8] =	sst s0;
	s0 =	simm.s32 @!p1 $0x0  }
0x14: {  	s2 =	sld [smem:$0x3F9C];
	s0 =	simm.s32 @p1 $0x1  }
0x15: {  	[smem:$0x3FB9] =	sst s0;
	s0 =	simm.s32 @!p2 $0x0  }
0x16: {  	s3 =	sld [smem:$0x3FDB];
	s0 =	simm.s32 @p2 $0x1  }
0x17: {  	s4 =	simm.s32 $0x1BF5;
	[smem:$0x3FBB] =	sst s0  }
0x18: {  	s0 =	sld [smem:$0x3F9E];
	_ =	swait.ge [sflag:s4], $0x0  }
0x19: {  	s7 =	sld [smem:$0x3F9F]  }
0x1a: {  	s8 =	sadd.s32 $0xFFFFE003, lr  }
0x1b: {  	s9 =	sadd.s32 $0xFFFFFEF7, lr;
	s5 =	simm.s32 $0xFFFFFFFF;
	p2 =	slt.u32 s8, $0xFFFFF086  }
0x1c: {  	p1 =	slt.u32 s9, $0xF7A;
	s5 =	simm.s32 @!p2 $0x0  }
0x1d: {  	s5 =	simm.s32 @p1 $0x1;
	p0 =	seq.s32 s7, s2  }
0x1e: {  	s7 =	smul.u32 @!p0 $0xF7A, s2;
	p2 =	seq.s32 @!p0 s5, $0x0  }
0x1f: {  	s9 =	smul.u32 $0xF7A, s1;
	s8 =	simm.s32 @!p0 $0x1BF5;
	p2 =	por !p2, p0  }
0x20: {  	[sflag:s8] =	ssyncset.s32 @!p0 $0xFFFFF086;
	s6 =	sadd.s32 @!p0 s3, s7;
	s7 =	simm.s32 @!p0 $0x108  }
0x21: {  	s3 =	sadd.s32 s3, s9;
	s6 =	sadd.s32 @!p0 $0x88, s6;
	s7 =	simm.s32 @p2 $0x1082  }
0x22: {  	[simem:s7], [sflag:s8] =	dma.local @!p0 [hbm:s6], $0xF7A  }
0x23: {  	s9 =	sor.u32 $0xD0000000, s2;
	s6 =	simm.s32 $0x108;
	_ =	swait.ge @!p0 [sflag:s8], $0x0  }
0x24: {  	s3 =	sadd.s32 $0x88, s3;
	s6 =	simm.s32 @!p1 $0x1082;
	[sflag:s4] =	ssyncset.s32 $0xFFFFF086  }
0x25: {  	[simem:s6], [sflag:s4] =	dma.local [hbm:s3], $0xF7A  }
0x26: {  	[smem:$0x3F9F] =	sst s1;
	(tag) =	ssettag s2;
	_ =	strace s9  }
0x27: {  	s1 =	sld [smem:$0x3FAF]  }
0x28: {  	s2 =	sld [smem:$0x3FB0]  }
0x29: {  	s4 =	sld [smem:$0x3FB2]  }
0x2a: {  	p0 =	seq.s32 s5, $0x0;
	s5 =	sld [smem:$0x3FB3]  }
0x2b: {  	s6 =	sld [smem:$0x3FB4]  }
0x2c: {  	s7 =	sld [smem:$0x3FB5]  }
0x2d: {  	s3 =	simm.s32 $0x108;
	s8 =	sld [smem:$0x3FB6]  }
0x2e: {  	s3 =	simm.s32 @!p0 $0x1082;
	s9 =	sld [smem:$0x3FB7]  }
0x2f: {  	lr =	sadd.s32 s0, s3;
	s0 =	sld [smem:$0x3FAE]  }
0x30: {  	s3 =	sld [smem:$0x3FB1]  }
0x31: {  	[smem:$0x3FBA] =	sst s10  }
0x32: {  	s10 =	sld [smem:$0x3FB8];
	_ =	sdelay $0x3  }
0x33: {  	p0 =	seq.s32 s10, $0x1;
	s10 =	sld [smem:$0x3FBA];
	_ =	sdelay $0x3  }
0x34: {  	[smem:$0x3FBA] =	sst s10  }
0x35: {  	s10 =	sld [smem:$0x3FB9];
	_ =	sdelay $0x3  }
0x36: {  	p1 =	seq.s32 s10, $0x1;
	s10 =	sld [smem:$0x3FBA];
	_ =	sdelay $0x3  }
0x37: {  	[smem:$0x3FBA] =	sst s10  }
0x38: {  	s10 =	sld [smem:$0x3FBB]  }
0x39: {  	_ = 	snop;
	(pc) =	sbr.ind lr, $3  }
0x3a: {  	_ = 	snop  }
0x3b: {  	_ = 	snop  }
0x3c: {  	p2 =	seq.s32 s10, $0x1;
	s10 =	sld [smem:$0x3FBA]  }
0x3d: {  	_ =	shalt  }
0x3e: {  	_ =	shalt  }
0x3f: {  	_ =	shalt  }
0x40: {  	_ =	shalt  }
0x41: {  	_ =	shalt  }
0x42: {  	_ =	shalt  }
0x43: {  	_ =	shalt  }
0x44: {  	_ =	shalt  }
0x45: {  	_ =	shalt  }
0x46: {  	_ =	shalt  }
0x47: {  	_ =	shalt  }
0x48: {  	_ =	shalt  }
0x49: {  	_ =	shalt  }
0x4a: {  	_ =	shalt  }
0x4b: {  	_ =	shalt  }
0x4c: {  	_ =	shalt  }
0x4d: {  	_ =	shalt  }
0x4e: {  	_ =	shalt  }
0x4f: {  	_ =	shalt  }
0x50: {  	_ =	shalt  }
0x51: {  	_ =	shalt  }
0x52: {  	_ =	shalt  }
0x53: {  	_ =	shalt  }
0x54: {  	_ =	shalt  }
0x55: {  	_ =	shalt  }
0x56: {  	_ =	shalt  }
0x57: {  	_ =	shalt  }
0x58: {  	_ =	shalt  }
0x59: {  	_ =	shalt  }
0x5a: {  	_ =	shalt  }
0x5b: {  	_ =	shalt  }
0x5c: {  	_ =	shalt  }
0x5d: {  	_ =	shalt  }
0x5e: {  	_ =	shalt  }
0x5f: {  	_ =	shalt  }
0x60: {  	_ =	shalt  }
0x61: {  	_ =	shalt  }
0x62: {  	_ =	shalt  }
0x63: {  	_ =	shalt  }
0x64: {  	_ =	shalt  }
0x65: {  	_ =	shalt  }
0x66: {  	_ =	shalt  }
0x67: {  	_ =	shalt  }
0x68: {  	_ =	shalt  }
0x69: {  	_ =	shalt  }
0x6a: {  	_ =	shalt  }
0x6b: {  	_ =	shalt  }
0x6c: {  	_ =	shalt  }
0x6d: {  	_ =	shalt  }
0x6e: {  	_ =	shalt  }
0x6f: {  	_ =	shalt  }
0x70: {  	_ =	shalt  }
0x71: {  	_ =	shalt  }
0x72: {  	_ =	shalt  }
0x73: {  	_ =	shalt  }
0x74: {  	_ =	shalt  }
0x75: {  	_ =	shalt  }
0x76: {  	_ =	shalt  }
0x77: {  	_ =	shalt  }
0x78: {  	_ =	shalt  }
0x79: {  	_ =	shalt  }
0x7a: {  	_ =	shalt  }
0x7b: {  	_ =	shalt  }
0x7c: {  	_ =	shalt  }
0x7d: {  	_ =	shalt  }
0x7e: {  	_ =	shalt  }
0x7f: {  	_ =	shalt  }
0x80: {  	_ =	shalt  }
0x81: {  	_ =	shalt  }
0x82: {  	_ =	shalt  }
0x83: {  	_ =	shalt  }
0x84: {  	_ =	shalt  }
0x85: {  	_ =	shalt  }
0x86: {  	_ =	shalt  }
0x87: {  	_ =	shalt  }
.Lfunc_end0:
.L_simem_size_0:
called_computation_lowered:
.L_overlay_start_0:
0x88: {  	s2 =	sld [smem:$0x3FD9]  }
0x89: {  	s3 =	sld [smem:$0x3FFE];
	_ =	sdelay $0x1  }
0x8a: {  	s1 =	srdreg.scid  }
0x8b: {  	s0 =	sand.u32 $0x1, s1  }
0x8c: {  	s18 =	sshll.u32 s0, $0xA;
	s2 =	sadd.s32 s3, s2  }
0x8d: {  	s2 =	sadd.s32 s2, s18  }
0x8e: {  	[smem:$0x3FC6] =	sst s2  }
0x8f: {  	_ = 	snop  }
0x90: {  	s2 =	sld [smem:$0x3FC9]  }
0x91: {  	s19 =	sld [smem:$0x3FC8]  }
0x92: {  	s4 =	sld [smem:$0x3FD0];
	(tm) =	ssettm $0x1  }
0x93: {  	s5 =	sld [smem:$0x3FFB];
	_ =	sdelay $0x3  }
0x94: {  	_ =	strace s5  }
0x95: {  	s5 =	sld [smem:$0x3FFC];
	_ =	sdelay $0x3  }
0x96: {  	_ =	strace s5  }
0x97: {  	s5 =	sld [smem:$0x3FFD];
	_ =	sdelay $0x3  }
0x98: {  	_ =	strace s5  }
0x99: {  	_ =	strace $0x8FFFFFFF  }
0x9a: {  	s20 =	sld [smem:$0x3FDB];
	_ =	sdelay $0x1  }
0x9b: {  	s6 =	simm.s32 $_scs_section_size  }
0x9c: {  	s7 =	simm.s32 $_size__tile_overlayer_lowered;
	s8 =	simm.s32 $_tile_overlayer_lowered  }
0x9d: {  	s23 =	simm.s32 $0x1BFF;
	s22 =	sshll.u32 s8, $0x1;
	s5 =	sadd.s32 s6, s20  }
0x9e: {  	s9 =	simm.s32 $0x0;
	s21 =	sshll.u32 s7, $0x1;
	s7 =	sadd.s32 s22, s5  }
0x9f: {  	[timem:s9], [sflag:s23] =	dma.local [hbm:s7], s21  }
0xa0: {  	_ =	swait.ge [sflag:s23], s21  }
0xa1: {  	s6 =	ssub.s32 $0x0, s21;
	[sflag:s23] =	ssyncset.done $0x0  }
0xa2: {  	[sflag:s23] =	ssyncadd.s32 s6;
	_ =	sdelay $0x1  }
0xa3: {  	s24 =	simm.s32 $0x1B8B  }
0xa4: {  	_ =	swait.ge [sflag:s24], $0x1  }
0xa5: {  	[sflag:s24] =	ssyncset.done $0x0  }
0xa6: {  	s25 =	simm.s32 $0x1B8E;
	[sflag:s24] =	ssyncadd.s32 $0xFFFFFFFF  }
0xa7: {  	s26 =	simm.s32 $execute0_lowered;
	[smem:$0x3FD2] =	sst s25  }
0xa8: {  	s6 =	sshll.u32 s26, $0x1;
	_ =	strace $0x80000046;
	[dreg:$0x1] =	wrdreg $0xFFFFFFFF  }
0xa9: {  	s28 =	simm.s32 $_size_execute0_lowered;
	s5 =	sadd.s32 s5, s6;
	[dreg:$0x0] =	wrdreg $0x0  }
0xaa: {  	s6 =	sshll.u32 s28, $0x1;
	[dreg:$0x2] =	wrdreg s5  }
0xab: {  	[dreg:$0x3] =	wrdreg s6  }
0xac: {  	[dreg:$0x4] =	wrdreg $0xC0  }
0xad: {  	_ =	task [dreg:s9], $0x5FFFF  }
0xae: {  	[dreg:$0x1] =	wrdreg $0xFFFFFFFF  }
0xaf: {  	[dreg:$0x0] =	wrdreg $0x60  }
0xb0: {  	[dreg:$0x2] =	wrdreg s2  }
0xb1: {  	[dreg:$0x3] =	wrdreg s19  }
0xb2: {  	[dreg:$0x4] =	wrdreg s4  }
0xb3: {  	[dreg:$0x5] =	wrdreg $0x9  }
0xb4: {  	_ =	task.clear_ibuf [dreg:s9], $0x6FFFF;
	_ =	strace $0x90000046  }
0xb5: {  	s29 =	simm.s32 $0x9;
	_ =	strace $0x80000048  }
0xb6: {  	_ =	swait.ge [sflag:s29], $0x1  }
0xb7: {  	[sflag:s29] =	ssyncadd.s32 $0xFFFFFFFF  }
0xb8: {  	_ =	strace $0x90000048  }
0xb9: {  	_ =	sfence  }
0xba: {  	s30 =	sld [smem:$0x0];
	_ =	sdelay $0x2  }
0xbb: {  	s31 =	sshll.u32 s1, $0xD;
	s1 =	sshrl.u32 s1, $0x2  }
0xbc: {  	s3 =	sand.u32 $0x4000, s31;
	s1 =	sadd.s32 s1, s30  }
0xbd: {  	s0 =	sor.u32 s3, s0;
	s1 =	sshll.u32 s1, $0x11  }
0xbe: {  	s0 =	sor.u32 s1, s0  }
0xbf: {  	s0 =	sadd.s32 $0x8F2B, s0  }
0xc0: {  	[sflag:s0] =	ssyncadd.remote.s32 $0x1  }
0xc1: {  	_ =	sfence.sel $0xFFFF  }
0xc2: {  	[dreg:$0x0] =	wrdreg $0xFFFFFFFF;
	(pc) =	sbr.abs _section_cstart, $3  }
0xc3: {  	[dreg:$0x1] =	wrdreg $0xFFFFFFFF  }
0xc4: {  	_ =	task.clear_ibuf [dreg:s9], $0x2FFFF;
	_ =	strace $0x9FFFFFFF  }
0xc5: {  	(tm) =	ssettm $0x7FFFFFFF  }
tec
execute0_lowered:
.L_overlay_start_1:
0x0: {  	(tag) =	ssettag $0x1  }
0x1: {  	s0 =	rddreg [dreg:$0x0]  }
0x2: {  	s3 =	rddreg [dreg:$0x2];
	s1 =	srdreg.scid  }
0x3: {  	s8 =	stileid.u32;
	s4 =	simm.s32 $0x0;
	s18 =	simm.s32 $0x1  }
0x4: {  	s19 =	simm.s32 $0x4000;
	s20 =	simm.s32 $0xC900;
	s21 =	simm.s32 $0x2  }
0x5: {  	s22 =	simm.s32 $0x8480;
	s1 =	sand.u32 $0x1, s1;
	s2 =	sshll.u32 s8, $0x1  }
0x6: {  	[smem:$0x7FF] =	sst s4;
	s25 =	sadd.s32 $0x7A1000, s3;
	s11 =	sadd.s32 $0x8000, s3  }
0x7: {  	p1 =	sgt.u32 s8, $0x1;
	s5 =	ssub.s32 $0x2, s1;
	s1 =	sor.u32 s1, s2  }
0x8: {  	_ =	strace $0x80000047;
	[dreg:$0x5] =	wrdreg s25;
	s25 =	simm.s32 $0x3  }
0x9: {  	s23 =	sshrl.u32 s5, $0x1;
	s6 =	sshll.u32 s1, $0x7;
	s7 =	sshll.u32 s1, $0xA  }
0xa: {  	s28 =	sor.u32 $0x1E80, s1;
	p0 =	sne.s32 s1, $0x1F;
	s1 =	simm.s32 $0x0  }
0xb: {  	v0 =	vlaneseq.u32;
	s2 =	ssub.s32 s5, s23;
	s24 =	sadd.s32 s0, s6;
	s29 =	sshll.u32 s28, $0x7  }
.Ltmp0:
0xc: {  	v0 =	vmul.u32 $0x89, v0;
	s26 =	sadd.s32 $0x1000, s24;
	[dreg:$0x4] =	wrdreg s24;
	(pc) =	sbr.rel .LBB2_1-.Ltmp0, $4  }
0xd: {  	s5 =	sshll.u32 s28, $0xA;
	s0 =	sadd.s32 s0, s29;
	[dreg:$0x6] =	wrdreg s26  }
0xe: {  	v1 =	vadd.s32 $0x890, v0;
	s23 =	simm.s32 $0xE900;
	s30 =	sadd.s32 s3, s5;
	[dreg:$0x7] =	wrdreg s0  }
0xf: {  	v2 =	vadd.s32 $0x1120, v0;
	v3 =	vadd.s32 $0x19B0, v0;
	v4 =	vadd.s32 $0x2240, v0;
	s9 =	sadd.s32 $0x2000, s24;
	s31 =	smax.u32 s2, $0x1;
	[dreg:$0x8] =	wrdreg s30  }
0x10: {  	v5 =	vadd.s32 $0x2AD0, v0;
	v6 =	vadd.s32 $0x3360, v0;
	v7 =	vadd.s32 $0x3BF0, v0;
	s10 =	sadd.s32 $0x3000, s24;
	[dreg:$0x9] =	wrdreg s31;
	s26 =	simm.s32 $0x4  }
.LBB2_16:
0x11: {  	[tilespmem:s0+$0xFFFFFFB0] =	vst v8  }
0x12: {  	[tilespmem:s8+$0xC900] =	vst v9  }
0x13: {  	[tilespmem:s0+$0x30] =	vst v10  }
0x14: {  	[tilespmem:s6+$0xC900] =	vst v11  }
0x15: {  	[tilespmem:s0+$0xB0] =	vst v12  }
0x16: {  	s0 =	rddreg [dreg:$0x8]  }
0x17: {  	s1 =	rddreg [dreg:$0xa]  }
0x18: {  	[hbm4b:s0+s4] =	stream.linear.scatter [tilespmem:s20], [sflag:$0x3], $0x2000, $0x38;
	[tilespmem:$0x10900] =	vst v63  }
.LBB2_17:
0x19: {  	_ =	swait.ge [sflag:s25], $0x2000  }
0x1a: {  	[sflag:s25] =	ssyncset.done $0x0  }
0x1b: {  	[sflag:s25] =	ssyncadd.s32 $0xFFFFE000  }
0x1c: {  	_ =	swait.ge [sflag:s26], $0x2000  }
0x1d: {  	s1 =	sadd.s32 $0x1, s1;
	s0 =	rddreg [dreg:$0x9]  }
0x1e: {  	p2 =	sne.s32 s1, s0  }
.Ltmp1:
0x1f: {  	_ = 	snop;
	(pc) =	sbr.rel @!p2 .LBB2_18-.Ltmp1, $3  }
0x20: {  	_ =	sdelay $0x1  }
0x21: {  	[sflag:s26] =	ssyncset.done $0x0  }
0x22: {  	[sflag:s26] =	ssyncadd.s32 $0xFFFFE000  }
.LBB2_1:
0x23: {  	[dreg:$0xa] =	wrdreg s1  }
0x24: {  	s0 =	simm.s32 @!p0 $0x0;
	s1 =	simm.s32 @!p0 $0xC900;
	s2 =	rddreg [dreg:$0x1]  }
0x25: {  	[tilespmem:s1], [sflag:$0x5] =	stream.linear.gather @!p0 [hbm4b:s2+s0], $0x1000, $0x38;
	[tilespmem:$0x10900] =	vst v63  }
0x26: {  	s2 =	simm.s32 @!p0 $0x5  }
0x27: {  	_ =	swait.ge @!p0 [sflag:s2], $0x1000  }
0x28: {  	[sflag:s2] =	ssyncset.done @!p0 $0x0  }
0x29: {  	s5 =	rddreg [dreg:$0x5];
	[sflag:s2] =	ssyncadd.s32 @!p0 $0xFFFFF000  }
0x2a: {  	[hbm4b:s5+s0] =	stream.linear.scatter @!p0 [tilespmem:s1], [sflag:$0x5], $0x1000, $0x38;
	[tilespmem:$0x10900] =	vst v63  }
0x2b: {  	_ =	swait.ge @!p0 [sflag:s2], $0x1000  }
0x2c: {  	s24 =	simm.s32 $0x400;
	[sflag:s2] =	ssyncset.done @!p0 $0x0  }
0x2d: {  	s28 =	simm.s32 $0x7A1400;
	s17 =	rddreg [dreg:$0x4];
	[sflag:s2] =	ssyncadd.s32 @!p0 $0xFFFFF000  }
0x2e: {  	[tilespmem:s4], [sflag:$0x1] =	stream.strided.gather [hbm4b:s17+s24], $0x2000, s28, s24, $0x38;
	[tilespmem:$0x10900] =	vst v63  }
0x2f: {  	s31 =	simm.s32 $0x2000;
	s29 =	simm.s32 $0x0;
	s30 =	rddreg [dreg:$0x6]  }
0x30: {  	[tilespmem:s31], [sflag:$0x2] =	stream.strided.gather [hbm4b:s30+s24], $0x2000, s28, s24, $0x38;
	[tilespmem:$0x10900] =	vst v63  }
.LBB2_2:
0x31: {  	_ =	swait.ge [sflag:s18], $0x2000  }
0x32: {  	[sflag:s18] =	ssyncset.done $0x0  }
0x33: {  	s0 =	simm.s32 $0x200;
	s14 =	simm.s32 $0x7;
	[sflag:s18] =	ssyncadd.s32 $0xFFFFE000  }
0x34: {  	s5 =	simm.s32 $0x1;
	v9 =	vadd.s32 s14, v0;
	v8 =	vld [tilespmem:s0+$0x180]  }
0x35: {  	s12 =	simm.s32 $0x2;
	v11 =	vadd.s32 s5, v0;
	v10 =	vld [tilespmem:s0+$0xFFFFFE80]  }
0x36: {  	s2 =	simm.s32 $0x3;
	v13 =	vadd.s32 s12, v0;
	v12 =	vld [tilespmem:s0+$0xFFFFFF00]  }
0x37: {  	s1 =	simm.s32 $0x4;
	v15 =	vadd.s32 s2, v0;
	v14 =	vld [tilespmem:s0+$0xFFFFFF80]  }
0x38: {  	s6 =	simm.s32 $0x5;
	v17 =	vadd.s32 s1, v0;
	v16 =	vld [tilespmem:s0+$0x0]  }
0x39: {  	s13 =	simm.s32 $0x6;
	v19 =	vadd.s32 s6, v0;
	v18 =	vld [tilespmem:s0+$0x80];
	[tilespmem:v9+s19+$0x0] =	vst.idx.msk $0xffff, v8  }
0x3a: {  	s8 =	simm.s32 $0x0;
	[tilespmem:v11+s19+$0x0] =	vst.idx.msk $0xffff, v10;
	v10 =	vld [tilespmem:s0+$0x100];
	v11 =	vadd.s32 s13, v0  }
0x3b: {  	[tilespmem:v13+s19+$0x0] =	vst.idx.msk $0xffff, v12;
	v12 =	vld [tilespmem:s0+$0xFFFFFE00];
	v13 =	vadd.s32 s8, v0  }
0x3c: {  	v9 =	vadd.s32 s14, v1;
	[tilespmem:v15+s19+$0x0] =	vst.idx.msk $0xffff, v14;
	v8 =	vld [tilespmem:s0+$0x190]  }
0x3d: {  	v15 =	vadd.s32 s5, v1;
	[tilespmem:v17+s19+$0x0] =	vst.idx.msk $0xffff, v16;
	v14 =	vld [tilespmem:s0+$0xFFFFFE90]  }
0x3e: {  	v17 =	vadd.s32 s12, v1;
	[tilespmem:v19+s19+$0x0] =	vst.idx.msk $0xffff, v18;
	v16 =	vld [tilespmem:s0+$0xFFFFFF10]  }
0x3f: {  	v19 =	vadd.s32 s2, v1;
	v18 =	vld [tilespmem:s0+$0xFFFFFF90];
	[tilespmem:v11+s19+$0x0] =	vst.idx.msk $0xffff, v10  }
0x40: {  	[tilespmem:v13+s19+$0x0] =	vst.idx.msk $0xffff, v12;
	v10 =	vld [tilespmem:s0+$0x10];
	v11 =	vadd.s32 s1, v1  }
0x41: {  	v12 =	vld [tilespmem:s0+$0x90];
	v13 =	vadd.s32 s6, v1;
	[tilespmem:v9+s19+$0x0] =	vst.idx.msk $0xffff, v8  }
0x42: {  	[tilespmem:v15+s19+$0x0] =	vst.idx.msk $0xffff, v14;
	v14 =	vld [tilespmem:s0+$0x110];
	v15 =	vadd.s32 s13, v1  }
0x43: {  	v9 =	vadd.s32 s14, v2;
	[tilespmem:v17+s19+$0x0] =	vst.idx.msk $0xffff, v16;
	v8 =	vld [tilespmem:s0+$0x1A0]  }
0x44: {  	v16 =	vld [tilespmem:s0+$0xFFFFFE10];
	v17 =	vadd.s32 s8, v1;
	[tilespmem:v19+s19+$0x0] =	vst.idx.msk $0xffff, v18  }
0x45: {  	v19 =	vadd.s32 s5, v2;
	v18 =	vld [tilespmem:s0+$0xFFFFFEA0];
	[tilespmem:v11+s19+$0x0] =	vst.idx.msk $0xffff, v10  }
0x46: {  	v10 =	vld [tilespmem:s0+$0xFFFFFF20];
	v11 =	vadd.s32 s12, v2;
	[tilespmem:v13+s19+$0x0] =	vst.idx.msk $0xffff, v12  }
0x47: {  	v12 =	vld [tilespmem:s0+$0xFFFFFFA0];
	v13 =	vadd.s32 s2, v2;
	[tilespmem:v15+s19+$0x0] =	vst.idx.msk $0xffff, v14  }
0x48: {  	v14 =	vld [tilespmem:s0+$0x20];
	v15 =	vadd.s32 s1, v2;
	[tilespmem:v9+s19+$0x0] =	vst.idx.msk $0xffff, v8  }
0x49: {  	[tilespmem:v17+s19+$0x0] =	vst.idx.msk $0xffff, v16;
	v9 =	vadd.s32 s14, v3;
	v8 =	vld [tilespmem:s0+$0x1B0]  }
0x4a: {  	v16 =	vld [tilespmem:s0+$0xA0];
	v17 =	vadd.s32 s6, v2;
	[tilespmem:v19+s19+$0x0] =	vst.idx.msk $0xffff, v18  }
0x4b: {  	v18 =	vld [tilespmem:s0+$0x120];
	v19 =	vadd.s32 s13, v2;
	[tilespmem:v11+s19+$0x0] =	vst.idx.msk $0xffff, v10  }
0x4c: {  	v10 =	vld [tilespmem:s0+$0xFFFFFE20];
	v11 =	vadd.s32 s8, v2;
	[tilespmem:v13+s19+$0x0] =	vst.idx.msk $0xffff, v12  }
0x4d: {  	v12 =	vld [tilespmem:s0+$0xFFFFFEB0];
	v13 =	vadd.s32 s5, v3;
	[tilespmem:v15+s19+$0x0] =	vst.idx.msk $0xffff, v14  }
0x4e: {  	v14 =	vld [tilespmem:s0+$0xFFFFFF30];
	v15 =	vadd.s32 s12, v3;
	[tilespmem:v9+s19+$0x0] =	vst.idx.msk $0xffff, v8  }
0x4f: {  	[tilespmem:v17+s19+$0x0] =	vst.idx.msk $0xffff, v16;
	v9 =	vadd.s32 s14, v4;
	v8 =	vld [tilespmem:s0+$0x1C0]  }
0x50: {  	v16 =	vld [tilespmem:s0+$0xFFFFFFB0];
	v17 =	vadd.s32 s2, v3;
	[tilespmem:v19+s19+$0x0] =	vst.idx.msk $0xffff, v18  }
0x51: {  	v18 =	vld [tilespmem:s0+$0x30];
	v19 =	vadd.s32 s1, v3;
	[tilespmem:v11+s19+$0x0] =	vst.idx.msk $0xffff, v10  }
0x52: {  	[tilespmem:v13+s19+$0x0] =	vst.idx.msk $0xffff, v12;
	v10 =	vld [tilespmem:s0+$0xB0];
	v11 =	vadd.s32 s6, v3  }
0x53: {  	v12 =	vld [tilespmem:s0+$0x130];
	v13 =	vadd.s32 s13, v3;
	[tilespmem:v15+s19+$0x0] =	vst.idx.msk $0xffff, v14  }
0x54: {  	v14 =	vld [tilespmem:s0+$0xFFFFFE30];
	v15 =	vadd.s32 s8, v3;
	[tilespmem:v9+s19+$0x0] =	vst.idx.msk $0xffff, v8  }
0x55: {  	[tilespmem:v17+s19+$0x0] =	vst.idx.msk $0xffff, v16;
	v9 =	vadd.s32 s14, v5;
	v8 =	vld [tilespmem:s0+$0x1D0]  }
0x56: {  	v16 =	vld [tilespmem:s0+$0xFFFFFEC0];
	v17 =	vadd.s32 s5, v4;
	[tilespmem:v19+s19+$0x0] =	vst.idx.msk $0xffff, v18  }
0x57: {  	v18 =	vld [tilespmem:s0+$0xFFFFFF40];
	v19 =	vadd.s32 s12, v4;
	[tilespmem:v11+s19+$0x0] =	vst.idx.msk $0xffff, v10  }
0x58: {  	v10 =	vld [tilespmem:s0+$0xFFFFFFC0];
	v11 =	vadd.s32 s2, v4;
	[tilespmem:v13+s19+$0x0] =	vst.idx.msk $0xffff, v12  }
0x59: {  	v12 =	vld [tilespmem:s0+$0x40];
	v13 =	vadd.s32 s1, v4;
	[tilespmem:v15+s19+$0x0] =	vst.idx.msk $0xffff, v14  }
0x5a: {  	v14 =	vld [tilespmem:s0+$0xC0];
	v15 =	vadd.s32 s6, v4;
	[tilespmem:v9+s19+$0x0] =	vst.idx.msk $0xffff, v8  }
0x5b: {  	[tilespmem:v17+s19+$0x0] =	vst.idx.msk $0xffff, v16;
	v9 =	vadd.s32 s14, v6;
	v8 =	vld [tilespmem:s0+$0x1E0]  }
0x5c: {  	v16 =	vld [tilespmem:s0+$0x140];
	v17 =	vadd.s32 s13, v4;
	[tilespmem:v19+s19+$0x0] =	vst.idx.msk $0xffff, v18  }
0x5d: {  	v18 =	vld [tilespmem:s0+$0xFFFFFE40];
	v19 =	vadd.s32 s8, v4;
	[tilespmem:v11+s19+$0x0] =	vst.idx.msk $0xffff, v10  }
0x5e: {  	v10 =	vld [tilespmem:s0+$0xFFFFFED0];
	v11 =	vadd.s32 s5, v5;
	[tilespmem:v13+s19+$0x0] =	vst.idx.msk $0xffff, v12  }
0x5f: {  	v12 =	vld [tilespmem:s0+$0xFFFFFF50];
	v13 =	vadd.s32 s12, v5;
	[tilespmem:v15+s19+$0x0] =	vst.idx.msk $0xffff, v14  }
0x60: {  	v14 =	vld [tilespmem:s0+$0xFFFFFFD0];
	v15 =	vadd.s32 s2, v5;
	[tilespmem:v9+s19+$0x0] =	vst.idx.msk $0xffff, v8  }
0x61: {  	[tilespmem:v17+s19+$0x0] =	vst.idx.msk $0xffff, v16;
	v9 =	vadd.s32 s14, v7;
	v8 =	vld [tilespmem:s0+$0x1F0]  }
0x62: {  	v16 =	vld [tilespmem:s0+$0x50];
	v17 =	vadd.s32 s1, v5;
	[tilespmem:v19+s19+$0x0] =	vst.idx.msk $0xffff, v18  }
0x63: {  	v18 =	vld [tilespmem:s0+$0xD0];
	v19 =	vadd.s32 s6, v5;
	[tilespmem:v11+s19+$0x0] =	vst.idx.msk $0xffff, v10  }
0x64: {  	v10 =	vld [tilespmem:s0+$0xFFFFFE50];
	v11 =	vadd.s32 s8, v5;
	[tilespmem:v13+s19+$0x0] =	vst.idx.msk $0xffff, v12  }
0x65: {  	v13 =	vadd.s32 s5, v6;
	v12 =	vld [tilespmem:s0+$0xFFFFFEE0];
	[tilespmem:v15+s19+$0x0] =	vst.idx.msk $0xffff, v14  }
0x66: {  	[tilespmem:v9+s19+$0x0] =	vst.idx.msk $0xffff, v8;
	v8 =	vld [tilespmem:s0+$0x150];
	v9 =	vadd.s32 s13, v5  }
0x67: {  	v14 =	vld [tilespmem:s0+$0xFFFFFF60];
	v15 =	vadd.s32 s12, v6;
	[tilespmem:v17+s19+$0x0] =	vst.idx.msk $0xffff, v16  }
0x68: {  	v17 =	vadd.s32 s2, v6;
	v16 =	vld [tilespmem:s0+$0xFFFFFFE0];
	[tilespmem:v19+s19+$0x0] =	vst.idx.msk $0xffff, v18  }
0x69: {  	v18 =	vld [tilespmem:s0+$0x60];
	v19 =	vadd.s32 s1, v6;
	[tilespmem:v11+s19+$0x0] =	vst.idx.msk $0xffff, v10  }
0x6a: {  	v20 =	vadd.s32 s8, v6;
	[tilespmem:v13+s19+$0x0] =	vst.idx.msk $0xffff, v12;
	v13 =	vld [tilespmem:s0+$0xFFFFFE60]  }
0x6b: {  	[tilespmem:v9+s19+$0x0] =	vst.idx.msk $0xffff, v8;
	v8 =	vld [tilespmem:s0+$0xE0];
	v9 =	vadd.s32 s6, v6  }
0x6c: {  	v12 =	vadd.s32 s13, v6;
	[tilespmem:v15+s19+$0x0] =	vst.idx.msk $0xffff, v14;
	v10 =	vld [tilespmem:s0+$0x160]  }
0x6d: {  	v22 =	vadd.s32 s5, v7;
	v21 =	vld [tilespmem:s0+$0xFFFFFEF0];
	[tilespmem:v17+s19+$0x0] =	vst.idx.msk $0xffff, v16  }
0x6e: {  	v24 =	vadd.s32 s12, v7;
	v23 =	vld [tilespmem:s0+$0xFFFFFF70];
	[tilespmem:v19+s19+$0x0] =	vst.idx.msk $0xffff, v18  }
0x6f: {  	v17 =	vadd.s32 s2, v7;
	v15 =	vld [tilespmem:s0+$0xFFFFFFF0];
	[tilespmem:v20+s19+$0x0] =	vst.idx.msk $0xffff, v13  }
0x70: {  	v16 =	vadd.s32 s1, v7;
	v11 =	vld [tilespmem:s0+$0x70];
	[tilespmem:v9+s19+$0x0] =	vst.idx.msk $0xffff, v8  }
0x71: {  	v14 =	vadd.s32 s6, v7;
	[tilespmem:v12+s19+$0x0] =	vst.idx.msk $0xffff, v10;
	v8 =	vld [tilespmem:s0+$0xF0]  }
0x72: {  	s30 =	simm.s32 $0x8;
	[tilespmem:v22+s19+$0x0] =	vst.idx.msk $0xffff, v21;
	v12 =	vadd.s32 s13, v7;
	v9 =	vld [tilespmem:s0+$0x170]  }
0x73: {  	s1 =	simm.s32 $0xF;
	s2 =	simm.s32 $0x10;
	v13 =	vadd.s32 s8, v7;
	[tilespmem:v24+s19+$0x0] =	vst.idx.msk $0xffff, v23;
	v10 =	vld [tilespmem:s0+$0xFFFFFE70];
	s0 =	simm.s32 $0x600  }
.LBB2_3:
0x74: {  	p2 =	slt.u32 s2, $0x38;
	s12 =	sadd.s32 $0x1, s30;
	v18 =	vld [tilespmem:s0+$0x180];
	v19 =	vadd.s32 s1, v0;
	[tilespmem:v17+s19+$0x0] =	vst.idx.msk $0xffff, v15;
	s17 =	smov.u32 s30  }
0x75: {  	s30 =	smov.u32 s2;
	v15 =	vld [tilespmem:s0+$0xFFFFFE80];
	v17 =	vadd.s32 s12, v0;
	s13 =	sadd.s32 $0x2, s17;
	[tilespmem:v16+s19+$0x0] =	vst.idx.msk $0xffff, v11  }
0x76: {  	s24 =	sadd.s32 $0x3, s17;
	v11 =	vld [tilespmem:s0+$0xFFFFFF00];
	v16 =	vadd.s32 s13, v0;
	[tilespmem:v14+s19+$0x0] =	vst.idx.msk $0xffff, v8  }
0x77: {  	s6 =	sadd.s32 $0x4, s17;
	v14 =	vadd.s32 s24, v0;
	v8 =	vld [tilespmem:s0+$0xFFFFFF80];
	[tilespmem:v12+s19+$0x0] =	vst.idx.msk $0xffff, v9  }
0x78: {  	s31 =	sadd.s32 $0x5, s17;
	v12 =	vadd.s32 s6, v0;
	v9 =	vld [tilespmem:s0+$0x0];
	[tilespmem:v13+s19+$0x0] =	vst.idx.msk $0xffff, v10  }
0x79: {  	v13 =	vadd.s32 s31, v0;
	v10 =	vld [tilespmem:s0+$0x80];
	[tilespmem:v19+s19+$0x0] =	vst.idx.msk $0xffff, v18  }
0x7a: {  	s8 =	sadd.s32 $0x6, s17;
	[tilespmem:v17+s19+$0x0] =	vst.idx.msk $0xffff, v15;
	v15 =	vld [tilespmem:s0+$0x190];
	v17 =	vadd.s32 s1, v1  }
0x7b: {  	[tilespmem:v16+s19+$0x0] =	vst.idx.msk $0xffff, v11;
	v11 =	vld [tilespmem:s0+$0x100];
	v16 =	vadd.s32 s8, v0  }
0x7c: {  	v19 =	vadd.s32 s17, v0;
	v18 =	vld [tilespmem:s0+$0xFFFFFE00];
	[tilespmem:v14+s19+$0x0] =	vst.idx.msk $0xffff, v8  }
0x7d: {  	v14 =	vadd.s32 s12, v1;
	v8 =	vld [tilespmem:s0+$0xFFFFFE90];
	[tilespmem:v12+s19+$0x0] =	vst.idx.msk $0xffff, v9  }
0x7e: {  	v12 =	vadd.s32 s13, v1;
	v9 =	vld [tilespmem:s0+$0xFFFFFF10];
	[tilespmem:v13+s19+$0x0] =	vst.idx.msk $0xffff, v10  }
0x7f: {  	v13 =	vadd.s32 s24, v1;
	v10 =	vld [tilespmem:s0+$0xFFFFFF90];
	[tilespmem:v17+s19+$0x0] =	vst.idx.msk $0xffff, v15  }
0x80: {  	v15 =	vadd.s32 s1, v2;
	[tilespmem:v16+s19+$0x0] =	vst.idx.msk $0xffff, v11;
	v11 =	vld [tilespmem:s0+$0x1A0]  }
0x81: {  	v17 =	vadd.s32 s6, v1;
	[tilespmem:v19+s19+$0x0] =	vst.idx.msk $0xffff, v18;
	v16 =	vld [tilespmem:s0+$0x10]  }
0x82: {  	[tilespmem:v14+s19+$0x0] =	vst.idx.msk $0xffff, v8;
	v8 =	vld [tilespmem:s0+$0x90];
	v14 =	vadd.s32 s31, v1  }
0x83: {  	[tilespmem:v12+s19+$0x0] =	vst.idx.msk $0xffff, v9;
	v9 =	vld [tilespmem:s0+$0x110];
	v12 =	vadd.s32 s8, v1  }
0x84: {  	v19 =	vadd.s32 s17, v1;
	v18 =	vld [tilespmem:s0+$0xFFFFFE10];
	[tilespmem:v13+s19+$0x0] =	vst.idx.msk $0xffff, v10  }
0x85: {  	v13 =	vadd.s32 s12, v2;
	v10 =	vld [tilespmem:s0+$0xFFFFFEA0];
	[tilespmem:v15+s19+$0x0] =	vst.idx.msk $0xffff, v11  }
0x86: {  	v15 =	vadd.s32 s1, v3;
	[tilespmem:v17+s19+$0x0] =	vst.idx.msk $0xffff, v16;
	v11 =	vld [tilespmem:s0+$0x1B0]  }
0x87: {  	v17 =	vadd.s32 s13, v2;
	v16 =	vld [tilespmem:s0+$0xFFFFFF20];
	[tilespmem:v14+s19+$0x0] =	vst.idx.msk $0xffff, v8  }
0x88: {  	v14 =	vadd.s32 s24, v2;
	v8 =	vld [tilespmem:s0+$0xFFFFFFA0];
	[tilespmem:v12+s19+$0x0] =	vst.idx.msk $0xffff, v9  }
0x89: {  	v12 =	vadd.s32 s6, v2;
	[tilespmem:v19+s19+$0x0] =	vst.idx.msk $0xffff, v18;
	v9 =	vld [tilespmem:s0+$0x20]  }
0x8a: {  	[tilespmem:v13+s19+$0x0] =	vst.idx.msk $0xffff, v10;
	v10 =	vld [tilespmem:s0+$0xA0];
	v13 =	vadd.s32 s31, v2  }
0x8b: {  	v19 =	vadd.s32 s8, v2;
	v18 =	vld [tilespmem:s0+$0x120];
	[tilespmem:v15+s19+$0x0] =	vst.idx.msk $0xffff, v11  }
0x8c: {  	v15 =	vadd.s32 s1, v4;
	[tilespmem:v17+s19+$0x0] =	vst.idx.msk $0xffff, v16;
	v11 =	vld [tilespmem:s0+$0x1C0]  }
0x8d: {  	v17 =	vadd.s32 s17, v2;
	v16 =	vld [tilespmem:s0+$0xFFFFFE20];
	[tilespmem:v14+s19+$0x0] =	vst.idx.msk $0xffff, v8  }
0x8e: {  	v14 =	vadd.s32 s12, v3;
	v8 =	vld [tilespmem:s0+$0xFFFFFEB0];
	[tilespmem:v12+s19+$0x0] =	vst.idx.msk $0xffff, v9  }
0x8f: {  	v12 =	vadd.s32 s13, v3;
	v9 =	vld [tilespmem:s0+$0xFFFFFF30];
	[tilespmem:v13+s19+$0x0] =	vst.idx.msk $0xffff, v10  }
0x90: {  	v13 =	vadd.s32 s24, v3;
	v10 =	vld [tilespmem:s0+$0xFFFFFFB0];
	[tilespmem:v19+s19+$0x0] =	vst.idx.msk $0xffff, v18  }
0x91: {  	v19 =	vadd.s32 s6, v3;
	v18 =	vld [tilespmem:s0+$0x30];
	[tilespmem:v15+s19+$0x0] =	vst.idx.msk $0xffff, v11  }
0x92: {  	v15 =	vadd.s32 s1, v5;
	[tilespmem:v17+s19+$0x0] =	vst.idx.msk $0xffff, v16;
	v11 =	vld [tilespmem:s0+$0x1D0]  }
0x93: {  	[tilespmem:v14+s19+$0x0] =	vst.idx.msk $0xffff, v8;
	v8 =	vld [tilespmem:s0+$0xB0];
	v14 =	vadd.s32 s31, v3  }
0x94: {  	[tilespmem:v12+s19+$0x0] =	vst.idx.msk $0xffff, v9;
	v9 =	vld [tilespmem:s0+$0x130];
	v12 =	vadd.s32 s8, v3  }
0x95: {  	v17 =	vadd.s32 s17, v3;
	v16 =	vld [tilespmem:s0+$0xFFFFFE30];
	[tilespmem:v13+s19+$0x0] =	vst.idx.msk $0xffff, v10  }
0x96: {  	v13 =	vadd.s32 s12, v4;
	v10 =	vld [tilespmem:s0+$0xFFFFFEC0];
	[tilespmem:v19+s19+$0x0] =	vst.idx.msk $0xffff, v18  }
0x97: {  	v19 =	vadd.s32 s13, v4;
	v18 =	vld [tilespmem:s0+$0xFFFFFF40];
	[tilespmem:v15+s19+$0x0] =	vst.idx.msk $0xffff, v11  }
0x98: {  	v11 =	vadd.s32 s1, v6;
	[tilespmem:v14+s19+$0x0] =	vst.idx.msk $0xffff, v8;
	v8 =	vld [tilespmem:s0+$0x1E0]  }
0x99: {  	v15 =	vadd.s32 s24, v4;
	v14 =	vld [tilespmem:s0+$0xFFFFFFC0];
	[tilespmem:v12+s19+$0x0] =	vst.idx.msk $0xffff, v9  }
0x9a: {  	v12 =	vadd.s32 s6, v4;
	[tilespmem:v17+s19+$0x0] =	vst.idx.msk $0xffff, v16;
	v9 =	vld [tilespmem:s0+$0x40]  }
0x9b: {  	[tilespmem:v13+s19+$0x0] =	vst.idx.msk $0xffff, v10;
	v10 =	vld [tilespmem:s0+$0xC0];
	v13 =	vadd.s32 s31, v4  }
0x9c: {  	v17 =	vadd.s32 s8, v4;
	[tilespmem:v19+s19+$0x0] =	vst.idx.msk $0xffff, v18;
	v16 =	vld [tilespmem:s0+$0x140]  }
0x9d: {  	v19 =	vadd.s32 s17, v4;
	v18 =	vld [tilespmem:s0+$0xFFFFFE40];
	[tilespmem:v11+s19+$0x0] =	vst.idx.msk $0xffff, v8  }
0x9e: {  	v11 =	vadd.s32 s1, v7;
	[tilespmem:v15+s19+$0x0] =	vst.idx.msk $0xffff, v14;
	v8 =	vld [tilespmem:s0+$0x1F0]  }
0x9f: {  	v15 =	vadd.s32 s12, v5;
	v14 =	vld [tilespmem:s0+$0xFFFFFED0];
	[tilespmem:v12+s19+$0x0] =	vst.idx.msk $0xffff, v9  }
0xa0: {  	v12 =	vadd.s32 s13, v5;
	v9 =	vld [tilespmem:s0+$0xFFFFFF50];
	[tilespmem:v13+s19+$0x0] =	vst.idx.msk $0xffff, v10  }
0xa1: {  	v13 =	vadd.s32 s24, v5;
	v10 =	vld [tilespmem:s0+$0xFFFFFFD0];
	[tilespmem:v17+s19+$0x0] =	vst.idx.msk $0xffff, v16  }
0xa2: {  	v17 =	vadd.s32 s6, v5;
	[tilespmem:v19+s19+$0x0] =	vst.idx.msk $0xffff, v18;
	v16 =	vld [tilespmem:s0+$0x50]  }
0xa3: {  	v19 =	vadd.s32 s31, v5;
	v18 =	vld [tilespmem:s0+$0xD0];
	[tilespmem:v11+s19+$0x0] =	vst.idx.msk $0xffff, v8  }
0xa4: {  	v11 =	vadd.s32 s8, v5;
	[tilespmem:v15+s19+$0x0] =	vst.idx.msk $0xffff, v14;
	v8 =	vld [tilespmem:s0+$0x150]  }
0xa5: {  	v15 =	vadd.s32 s17, v5;
	v14 =	vld [tilespmem:s0+$0xFFFFFE50];
	[tilespmem:v12+s19+$0x0] =	vst.idx.msk $0xffff, v9  }
0xa6: {  	v12 =	vadd.s32 s12, v6;
	v9 =	vld [tilespmem:s0+$0xFFFFFEE0];
	[tilespmem:v13+s19+$0x0] =	vst.idx.msk $0xffff, v10  }
0xa7: {  	v13 =	vadd.s32 s13, v6;
	v10 =	vld [tilespmem:s0+$0xFFFFFF60];
	[tilespmem:v17+s19+$0x0] =	vst.idx.msk $0xffff, v16  }
0xa8: {  	v17 =	vadd.s32 s24, v6;
	v16 =	vld [tilespmem:s0+$0xFFFFFFE0];
	[tilespmem:v19+s19+$0x0] =	vst.idx.msk $0xffff, v18  }
0xa9: {  	v19 =	vadd.s32 s6, v6;
	v18 =	vld [tilespmem:s0+$0x60];
	[tilespmem:v11+s19+$0x0] =	vst.idx.msk $0xffff, v8  }
0xaa: {  	v11 =	vadd.s32 s31, v6;
	[tilespmem:v15+s19+$0x0] =	vst.idx.msk $0xffff, v14;
	v8 =	vld [tilespmem:s0+$0xE0]  }
0xab: {  	[tilespmem:v12+s19+$0x0] =	vst.idx.msk $0xffff, v9;
	v9 =	vld [tilespmem:s0+$0x160];
	v12 =	vadd.s32 s8, v6  }
0xac: {  	v20 =	vadd.s32 s17, v6;
	v14 =	vld [tilespmem:s0+$0xFFFFFE60];
	[tilespmem:v13+s19+$0x0] =	vst.idx.msk $0xffff, v10  }
0xad: {  	v13 =	vadd.s32 s12, v7;
	v10 =	vld [tilespmem:s0+$0xFFFFFEF0];
	[tilespmem:v17+s19+$0x0] =	vst.idx.msk $0xffff, v16  }
0xae: {  	v22 =	vadd.s32 s13, v7;
	v21 =	vld [tilespmem:s0+$0xFFFFFF70];
	[tilespmem:v19+s19+$0x0] =	vst.idx.msk $0xffff, v18  }
.Ltmp2:
0xaf: {  	v17 =	vadd.s32 s24, v7;
	v15 =	vld [tilespmem:s0+$0xFFFFFFF0];
	[tilespmem:v11+s19+$0x0] =	vst.idx.msk $0xffff, v8;
	(pc) =	sbr.rel @p2 .LBB2_3-.Ltmp2, $4  }
0xb0: {  	v16 =	vadd.s32 s6, v7;
	v11 =	vld [tilespmem:s0+$0x70];
	[tilespmem:v12+s19+$0x0] =	vst.idx.msk $0xffff, v9  }
0xb1: {  	[tilespmem:v20+s19+$0x0] =	vst.idx.msk $0xffff, v14;
	v8 =	vld [tilespmem:s0+$0xF0];
	v14 =	vadd.s32 s31, v7  }
0xb2: {  	v12 =	vadd.s32 s8, v7;
	[tilespmem:v13+s19+$0x0] =	vst.idx.msk $0xffff, v10;
	v9 =	vld [tilespmem:s0+$0x170]  }
0xb3: {  	s2 =	sadd.s32 $0x8, s2;
	s1 =	sadd.s32 $0x7, s30;
	v13 =	vadd.s32 s17, v7;
	v10 =	vld [tilespmem:s0+$0xFFFFFE70];
	[tilespmem:v22+s19+$0x0] =	vst.idx.msk $0xffff, v21;
	s0 =	sadd.s32 $0x400, s0  }
0xb4: {  	_ =	sdelay $0x3  }
0xb5: {  	v18 =	vld [tilespmem:s0+$0x180];
	v19 =	vadd.s32 s1, v0;
	[tilespmem:v17+s19+$0x0] =	vst.idx.msk $0xffff, v15  }
0xb6: {  	s2 =	sadd.s32 $0x1, s30;
	v32 =	vld [tilespmem:s0+$0xFFFFFE00];
	v33 =	vadd.s32 s30, v0;
	[tilespmem:v16+s19+$0x0] =	vst.idx.msk $0xffff, v11  }
0xb7: {  	v15 =	vld [tilespmem:s0+$0xFFFFFE80];
	s5 =	sadd.s32 $0x2, s30;
	v28 =	vadd.s32 s2, v0;
	[tilespmem:v14+s19+$0x0] =	vst.idx.msk $0xffff, v8  }
0xb8: {  	s6 =	sadd.s32 $0x3, s30;
	v11 =	vld [tilespmem:s0+$0xFFFFFF00];
	v29 =	vadd.s32 s5, v0;
	[tilespmem:v12+s19+$0x0] =	vst.idx.msk $0xffff, v9  }
0xb9: {  	s8 =	sadd.s32 $0x4, s30;
	v8 =	vld [tilespmem:s0+$0xFFFFFF80];
	v14 =	vadd.s32 s6, v0;
	[tilespmem:v13+s19+$0x0] =	vst.idx.msk $0xffff, v10  }
0xba: {  	s12 =	sadd.s32 $0x5, s30;
	v9 =	vld [tilespmem:s0+$0x0];
	v12 =	vadd.s32 s8, v0;
	[tilespmem:v19+s19+$0x0] =	vst.idx.msk $0xffff, v18  }
0xbb: {  	v10 =	vld [tilespmem:s0+$0x80];
	v13 =	vadd.s32 s12, v0;
	[tilespmem:v33+s19+$0x0] =	vst.idx.msk $0xffff, v32  }
0xbc: {  	s13 =	sadd.s32 $0x6, s30;
	v30 =	vadd.s32 s1, v1;
	[tilespmem:v28+s19+$0x0] =	vst.idx.msk $0xffff, v15;
	v15 =	vld [tilespmem:s0+$0x190]  }
0xbd: {  	v31 =	vadd.s32 s13, v0;
	[tilespmem:v29+s19+$0x0] =	vst.idx.msk $0xffff, v11;
	v11 =	vld [tilespmem:s0+$0x100]  }
0xbe: {  	[tilespmem:v14+s19+$0x0] =	vst.idx.msk $0xffff, v8;
	v8 =	vld [tilespmem:s0+$0xFFFFFE90];
	v14 =	vadd.s32 s2, v1  }
0xbf: {  	v36 =	vadd.s32 s30, v1;
	v18 =	vld [tilespmem:s0+$0xFFFFFE10];
	[tilespmem:v12+s19+$0x0] =	vst.idx.msk $0xffff, v9  }
0xc0: {  	v9 =	vld [tilespmem:s0+$0xFFFFFF10];
	v12 =	vadd.s32 s5, v1;
	[tilespmem:v13+s19+$0x0] =	vst.idx.msk $0xffff, v10  }
0xc1: {  	v10 =	vld [tilespmem:s0+$0xFFFFFF90];
	v13 =	vadd.s32 s6, v1;
	[tilespmem:v30+s19+$0x0] =	vst.idx.msk $0xffff, v15  }
0xc2: {  	[tilespmem:v31+s19+$0x0] =	vst.idx.msk $0xffff, v11;
	v15 =	vadd.s32 s1, v2;
	v11 =	vld [tilespmem:s0+$0x1A0]  }
0xc3: {  	[tilespmem:v14+s19+$0x0] =	vst.idx.msk $0xffff, v8;
	v8 =	vld [tilespmem:s0+$0x90];
	v14 =	vadd.s32 s12, v1  }
0xc4: {  	v35 =	vadd.s32 s8, v1;
	v34 =	vld [tilespmem:s0+$0x10];
	[tilespmem:v36+s19+$0x0] =	vst.idx.msk $0xffff, v18  }
0xc5: {  	[tilespmem:v12+s19+$0x0] =	vst.idx.msk $0xffff, v9;
	v9 =	vld [tilespmem:s0+$0x110];
	v12 =	vadd.s32 s13, v1  }
0xc6: {  	[tilespmem:v13+s19+$0x0] =	vst.idx.msk $0xffff, v10;
	v10 =	vld [tilespmem:s0+$0xFFFFFEA0];
	v13 =	vadd.s32 s2, v2  }
0xc7: {  	v38 =	vadd.s32 s5, v2;
	v37 =	vld [tilespmem:s0+$0xFFFFFF20];
	[tilespmem:v15+s19+$0x0] =	vst.idx.msk $0xffff, v11  }
0xc8: {  	[tilespmem:v14+s19+$0x0] =	vst.idx.msk $0xffff, v8;
	v8 =	vld [tilespmem:s0+$0xFFFFFFA0];
	v14 =	vadd.s32 s6, v2  }
0xc9: {  	[tilespmem:v35+s19+$0x0] =	vst.idx.msk $0xffff, v34;
	v15 =	vadd.s32 s1, v3;
	v11 =	vld [tilespmem:s0+$0x1B0]  }
0xca: {  	[tilespmem:v12+s19+$0x0] =	vst.idx.msk $0xffff, v9;
	v9 =	vld [tilespmem:s0+$0x20];
	v12 =	vadd.s32 s8, v2  }
0xcb: {  	v42 =	vadd.s32 s30, v2;
	v41 =	vld [tilespmem:s0+$0xFFFFFE20];
	[tilespmem:v13+s19+$0x0] =	vst.idx.msk $0xffff, v10  }
0xcc: {  	v10 =	vld [tilespmem:s0+$0xA0];
	v13 =	vadd.s32 s12, v2;
	[tilespmem:v38+s19+$0x0] =	vst.idx.msk $0xffff, v37  }
0xcd: {  	v40 =	vadd.s32 s13, v2;
	v39 =	vld [tilespmem:s0+$0x120];
	[tilespmem:v14+s19+$0x0] =	vst.idx.msk $0xffff, v8  }
0xce: {  	v8 =	vld [tilespmem:s0+$0xFFFFFEB0];
	v14 =	vadd.s32 s2, v3;
	[tilespmem:v15+s19+$0x0] =	vst.idx.msk $0xffff, v11  }
0xcf: {  	[tilespmem:v12+s19+$0x0] =	vst.idx.msk $0xffff, v9;
	v9 =	vld [tilespmem:s0+$0xFFFFFF30];
	v12 =	vadd.s32 s5, v3  }
0xd0: {  	[tilespmem:v42+s19+$0x0] =	vst.idx.msk $0xffff, v41;
	v15 =	vadd.s32 s1, v4;
	v11 =	vld [tilespmem:s0+$0x1C0]  }
0xd1: {  	v45 =	vadd.s32 s30, v3;
	v16 =	vld [tilespmem:s0+$0xFFFFFE30];
	[tilespmem:v13+s19+$0x0] =	vst.idx.msk $0xffff, v10  }
0xd2: {  	v10 =	vld [tilespmem:s0+$0xFFFFFFB0];
	v13 =	vadd.s32 s6, v3;
	[tilespmem:v40+s19+$0x0] =	vst.idx.msk $0xffff, v39  }
0xd3: {  	v44 =	vadd.s32 s8, v3;
	v43 =	vld [tilespmem:s0+$0x30];
	[tilespmem:v14+s19+$0x0] =	vst.idx.msk $0xffff, v8  }
0xd4: {  	v8 =	vld [tilespmem:s0+$0xB0];
	v14 =	vadd.s32 s12, v3;
	[tilespmem:v12+s19+$0x0] =	vst.idx.msk $0xffff, v9  }
0xd5: {  	v9 =	vld [tilespmem:s0+$0x130];
	v12 =	vadd.s32 s13, v3;
	[tilespmem:v15+s19+$0x0] =	vst.idx.msk $0xffff, v11  }
0xd6: {  	[tilespmem:v45+s19+$0x0] =	vst.idx.msk $0xffff, v16;
	v15 =	vadd.s32 s1, v5;
	v11 =	vld [tilespmem:s0+$0x1D0]  }
0xd7: {  	v51 =	vadd.s32 s30, v4;
	v50 =	vld [tilespmem:s0+$0xFFFFFE40];
	[tilespmem:v13+s19+$0x0] =	vst.idx.msk $0xffff, v10  }
0xd8: {  	v10 =	vld [tilespmem:s0+$0xFFFFFEC0];
	v13 =	vadd.s32 s2, v4;
	[tilespmem:v44+s19+$0x0] =	vst.idx.msk $0xffff, v43  }
0xd9: {  	v47 =	vadd.s32 s5, v4;
	v46 =	vld [tilespmem:s0+$0xFFFFFF40];
	[tilespmem:v14+s19+$0x0] =	vst.idx.msk $0xffff, v8  }
0xda: {  	[tilespmem:v12+s19+$0x0] =	vst.idx.msk $0xffff, v9;
	v9 =	vld [tilespmem:s0+$0x40];
	v12 =	vadd.s32 s8, v4  }
0xdb: {  	v14 =	vld [tilespmem:s0+$0xFFFFFFC0];
	[tilespmem:v15+s19+$0x0] =	vst.idx.msk $0xffff, v11;
	v15 =	vadd.s32 s6, v4  }
0xdc: {  	[tilespmem:v51+s19+$0x0] =	vst.idx.msk $0xffff, v50;
	v11 =	vadd.s32 s1, v6;
	v8 =	vld [tilespmem:s0+$0x1E0]  }
0xdd: {  	[tilespmem:v13+s19+$0x0] =	vst.idx.msk $0xffff, v10;
	v10 =	vld [tilespmem:s0+$0xC0];
	v13 =	vadd.s32 s12, v4  }
0xde: {  	v49 =	vadd.s32 s13, v4;
	[tilespmem:v47+s19+$0x0] =	vst.idx.msk $0xffff, v46;
	v48 =	vld [tilespmem:s0+$0x140]  }
0xdf: {  	[tilespmem:v12+s19+$0x0] =	vst.idx.msk $0xffff, v9;
	v9 =	vld [tilespmem:s0+$0xFFFFFF50];
	v12 =	vadd.s32 s5, v5  }
0xe0: {  	[tilespmem:v15+s19+$0x0] =	vst.idx.msk $0xffff, v14;
	v14 =	vld [tilespmem:s0+$0xFFFFFED0];
	v15 =	vadd.s32 s2, v5  }
0xe1: {  	v53 =	vadd.s32 s8, v5;
	v52 =	vld [tilespmem:s0+$0x50];
	[tilespmem:v11+s19+$0x0] =	vst.idx.msk $0xffff, v8  }
0xe2: {  	[tilespmem:v13+s19+$0x0] =	vst.idx.msk $0xffff, v10;
	v11 =	vadd.s32 s1, v7;
	v8 =	vld [tilespmem:s0+$0x1F0]  }
0xe3: {  	v13 =	vadd.s32 s6, v5;
	[tilespmem:v49+s19+$0x0] =	vst.idx.msk $0xffff, v48;
	v10 =	vld [tilespmem:s0+$0xFFFFFFD0]  }
0xe4: {  	v55 =	vadd.s32 s12, v5;
	v54 =	vld [tilespmem:s0+$0xD0];
	[tilespmem:v12+s19+$0x0] =	vst.idx.msk $0xffff, v9  }
0xe5: {  	[tilespmem:v15+s19+$0x0] =	vst.idx.msk $0xffff, v14;
	v14 =	vld [tilespmem:s0+$0xFFFFFE50];
	v15 =	vadd.s32 s30, v5  }
0xe6: {  	v12 =	vadd.s32 s2, v6;
	[tilespmem:v53+s19+$0x0] =	vst.idx.msk $0xffff, v52;
	v9 =	vld [tilespmem:s0+$0xFFFFFEE0]  }
0xe7: {  	[tilespmem:v11+s19+$0x0] =	vst.idx.msk $0xffff, v8;
	v8 =	vld [tilespmem:s0+$0x150];
	v11 =	vadd.s32 s13, v5  }
0xe8: {  	[tilespmem:v13+s19+$0x0] =	vst.idx.msk $0xffff, v10;
	v10 =	vld [tilespmem:s0+$0xFFFFFF60];
	v13 =	vadd.s32 s5, v6  }
0xe9: {  	v59 =	vadd.s32 s8, v6;
	[tilespmem:v55+s19+$0x0] =	vst.idx.msk $0xffff, v54;
	v58 =	vld [tilespmem:s0+$0x60]  }
0xea: {  	v57 =	vadd.s32 s6, v6;
	v56 =	vld [tilespmem:s0+$0xFFFFFFE0];
	[tilespmem:v15+s19+$0x0] =	vst.idx.msk $0xffff, v14  }
0xeb: {  	v15 =	vadd.s32 s30, v6;
	[tilespmem:v12+s19+$0x0] =	vst.idx.msk $0xffff, v9;
	v14 =	vld [tilespmem:s0+$0xFFFFFE60]  }
0xec: {  	[tilespmem:v11+s19+$0x0] =	vst.idx.msk $0xffff, v8;
	v8 =	vld [tilespmem:s0+$0xE0];
	v11 =	vadd.s32 s12, v6  }
0xed: {  	[tilespmem:v13+s19+$0x0] =	vst.idx.msk $0xffff, v10;
	v13 =	vadd.s32 s2, v7;
	v10 =	vld [tilespmem:s0+$0xFFFFFEF0]  }
0xee: {  	[tilespmem:v59+s19+$0x0] =	vst.idx.msk $0xffff, v58;
	v12 =	vadd.s32 s13, v6;
	v9 =	vld [tilespmem:s0+$0x160]  }
0xef: {  	v61 =	vadd.s32 s5, v7;
	[tilespmem:v57+s19+$0x0] =	vst.idx.msk $0xffff, v56;
	v60 =	vld [tilespmem:s0+$0xFFFFFF70]  }
0xf0: {  	v63 =	vadd.s32 s6, v7;
	v62 =	vld [tilespmem:s0+$0xFFFFFFF0];
	[tilespmem:v15+s19+$0x0] =	vst.idx.msk $0xffff, v14  }
0xf1: {  	[tilespmem:v11+s19+$0x0] =	vst.idx.msk $0xffff, v8;
	v8 =	vld [tilespmem:s0+$0x70];
	v11 =	vadd.s32 s8, v7  }
0xf2: {  	v15 =	vadd.s32 s30, v7;
	[tilespmem:v13+s19+$0x0] =	vst.idx.msk $0xffff, v10;
	v14 =	vld [tilespmem:s0+$0xFFFFFE70]  }
0xf3: {  	[tilespmem:v12+s19+$0x0] =	vst.idx.msk $0xffff, v9;
	v9 =	vld [tilespmem:s0+$0xF0];
	v12 =	vadd.s32 s12, v7  }
0xf4: {  	v13 =	vadd.s32 s13, v7;
	[tilespmem:v61+s19+$0x0] =	vst.idx.msk $0xffff, v60;
	v10 =	vld [tilespmem:s0+$0x170]  }
0xf5: {  	[tilespmem:v63+s19+$0x0] =	vst.idx.msk $0xffff, v62  }
0xf6: {  	[tilespmem:v11+s19+$0x0] =	vst.idx.msk $0xffff, v8  }
0xf7: {  	[tilespmem:v15+s19+$0x0] =	vst.idx.msk $0xffff, v14  }
0xf8: {  	[tilespmem:v12+s19+$0x0] =	vst.idx.msk $0xffff, v9  }
0xf9: {  	s5 =	simm.s32 $0x4224;
	[tilespmem:v13+s19+$0x0] =	vst.idx.msk $0xffff, v10  }
0xfa: {  	v8 =	vld [tilespmem:s5+$0x19B]  }
0xfb: {  	v9 =	vld [tilespmem:s5+$0xFFFFFE65]  }
0xfc: {  	v10 =	vld [tilespmem:s5+$0xFFFFFEEE]  }
0xfd: {  	v11 =	vld [tilespmem:s5+$0xFFFFFF77]  }
0xfe: {  	s0 =	simm.s32 $0xCA00;
	v12 =	vld [tilespmem:s5+$0x0]  }
0xff: {  	v13 =	vld [tilespmem:s5+$0x89];
	[tilespmem:s0+$0xC0] =	vst v8  }
0x100: {  	[tilespmem:s0+$0xFFFFFF40] =	vst v9;
	v9 =	vld [tilespmem:s5+$0x112]  }
0x101: {  	[tilespmem:s0+$0xFFFFFF80] =	vst v10;
	v10 =	vld [tilespmem:s5+$0xFFFFFDDC]  }
0x102: {  	[tilespmem:s0+$0xFFFFFFC0] =	vst v11;
	v8 =	vld [tilespmem:s5+$0x1AB]  }
0x103: {  	[tilespmem:s0+$0x0] =	vst v12;
	v11 =	vld [tilespmem:s5+$0xFFFFFE75]  }
0x104: {  	[tilespmem:s0+$0x40] =	vst v13;
	v12 =	vld [tilespmem:s5+$0xFFFFFEFE]  }
0x105: {  	s1 =	simm.s32 $0x1C0;
	v13 =	vld [tilespmem:s5+$0xFFFFFF87];
	[tilespmem:s0+$0x80] =	vst v9  }
0x106: {  	s31 =	simm.s32 $0x40;
	s30 =	sor.u32 $0x50, s1;
	[tilespmem:s0+$0xFFFFFF00] =	vst v10;
	v9 =	vld [tilespmem:s5+$0x10]  }
0x107: {  	s12 =	sor.u32 $0x50, s31;
	[tilespmem:s30+$0xC900] =	vst v8;
	v10 =	vld [tilespmem:s5+$0xFFFFFDEC]  }
0x108: {  	s8 =	simm.s32 $0xC0;
	[tilespmem:s12+$0xC900] =	vst v11;
	v11 =	vld [tilespmem:s5+$0x99]  }
0x109: {  	s13 =	sor.u32 $0x50, s8;
	[tilespmem:s0+$0xFFFFFF90] =	vst v12;
	v12 =	vld [tilespmem:s5+$0x122]  }
0x10a: {  	[tilespmem:s13+$0xC900] =	vst v13;
	v8 =	vld [tilespmem:s5+$0x1BB]  }
0x10b: {  	s15 =	simm.s32 $0x140;
	v13 =	vld [tilespmem:s5+$0xFFFFFE85];
	[tilespmem:s0+$0x10] =	vst v9  }
0x10c: {  	s16 =	sor.u32 $0x50, s15;
	v9 =	vld [tilespmem:s5+$0xFFFFFF0E];
	[tilespmem:s0+$0xFFFFFF10] =	vst v10  }
0x10d: {  	[tilespmem:s16+$0xC900] =	vst v11;
	v11 =	vld [tilespmem:s5+$0xFFFFFF97]  }
0x10e: {  	s14 =	sor.u32 $0x60, s1;
	[tilespmem:s0+$0x90] =	vst v12;
	v10 =	vld [tilespmem:s5+$0xFFFFFDFC]  }
0x10f: {  	s17 =	sor.u32 $0x60, s31;
	v12 =	vld [tilespmem:s5+$0x20];
	[tilespmem:s14+$0xC900] =	vst v8  }
0x110: {  	[tilespmem:s17+$0xC900] =	vst v13;
	v8 =	vld [tilespmem:s5+$0x1CB]  }
0x111: {  	s28 =	sor.u32 $0x60, s8;
	v13 =	vld [tilespmem:s5+$0xA9];
	[tilespmem:s0+$0xFFFFFFA0] =	vst v9  }
0x112: {  	v14 =	vld [tilespmem:s5+$0x132];
	[tilespmem:s28+$0xC900] =	vst v11  }
0x113: {  	v15 =	vld [tilespmem:s5+$0xFFFFFE95];
	[tilespmem:s0+$0xFFFFFF20] =	vst v10  }
0x114: {  	p2 =	por $0x1, $0x1;
	s24 =	sor.u32 $0x70, s1;
	[tilespmem:s0+$0x20] =	vst v12;
	v16 =	vld [tilespmem:s5+$0xFFFFFE0C]  }
.Ltmp3:
0x115: {  	s30 =	sor.u32 $0x60, s15;
	[tilespmem:s24+$0xC900] =	vst v8;
	v8 =	vld [tilespmem:s5+$0xFFFFFF1E];
	(pc) =	sbr.rel @!p2 .LBB2_6-.Ltmp3, $4  }
0x116: {  	v9 =	vld [tilespmem:s5+$0xFFFFFFA7];
	[tilespmem:s30+$0xC900] =	vst v13  }
0x117: {  	s31 =	sor.u32 $0x70, s31;
	v10 =	vld [tilespmem:s5+$0x30];
	[tilespmem:s0+$0xA0] =	vst v14  }
0x118: {  	s6 =	sor.u32 $0x70, s15;
	[tilespmem:s31+$0xC900] =	vst v15;
	v11 =	vld [tilespmem:s5+$0xB9]  }
0x119: {  	s2 =	simm.s32 $0x0;
	s8 =	sor.u32 $0x70, s8;
	v12 =	vld [tilespmem:s5+$0x142];
	s5 =	simm.s32 $0x466C;
	[tilespmem:s0+$0xFFFFFF30] =	vst v16  }
.LBB2_5:
0x11a: {  	v13 =	vld [tilespmem:s5+$0x19B];
	s2 =	sadd.s32 $0x8, s2;
	[tilespmem:s0+$0xFFFFFFB0] =	vst v8  }
0x11b: {  	v8 =	vld [tilespmem:s5+$0xFFFFFE65];
	p2 =	slt.u32 s2, $0x78;
	[tilespmem:s8+$0xC900] =	vst v9  }
0x11c: {  	v9 =	vld [tilespmem:s5+$0xFFFFFEEE];
	[tilespmem:s0+$0x30] =	vst v10  }
0x11d: {  	v10 =	vld [tilespmem:s5+$0xFFFFFF77];
	[tilespmem:s6+$0xC900] =	vst v11  }
0x11e: {  	v11 =	vld [tilespmem:s5+$0x0];
	[tilespmem:s0+$0xB0] =	vst v12;
	s0 =	sadd.s32 $0x200, s0  }
0x11f: {  	v12 =	vld [tilespmem:s5+$0x89];
	[tilespmem:s0+$0xC0] =	vst v13  }
0x120: {  	[tilespmem:s0+$0xFFFFFF40] =	vst v8;
	v8 =	vld [tilespmem:s5+$0x1AB]  }
0x121: {  	[tilespmem:s0+$0xFFFFFF80] =	vst v9;
	v9 =	vld [tilespmem:s5+$0x112]  }
0x122: {  	v13 =	vld [tilespmem:s5+$0xFFFFFDDC];
	[tilespmem:s0+$0xFFFFFFC0] =	vst v10  }
0x123: {  	s1 =	sadd.s32 $0x200, s1;
	v10 =	vld [tilespmem:s5+$0xFFFFFE75];
	[tilespmem:s0+$0x0] =	vst v11  }
0x124: {  	s8 =	sadd.s32 $0xFFFFFF00, s1;
	s12 =	sor.u32 $0x50, s1;
	s6 =	sadd.s32 $0xFFFFFE80, s1;
	v11 =	vld [tilespmem:s5+$0xFFFFFEFE];
	[tilespmem:s0+$0x40] =	vst v12  }
0x125: {  	s17 =	sadd.s32 $0xFFFFFF80, s1;
	s14 =	sor.u32 $0x50, s8;
	s13 =	sor.u32 $0x50, s6;
	v12 =	vld [tilespmem:s5+$0xFFFFFF87];
	[tilespmem:s12+$0xC900] =	vst v8  }
0x126: {  	s24 =	sor.u32 $0x60, s8;
	s30 =	sor.u32 $0x50, s17;
	s12 =	sor.u32 $0x60, s6;
	[tilespmem:s0+$0x80] =	vst v9;
	v8 =	vld [tilespmem:s5+$0x1BB]  }
0x127: {  	s8 =	sor.u32 $0x70, s8;
	s15 =	sor.u32 $0x60, s17;
	s31 =	sor.u32 $0x70, s6;
	[tilespmem:s0+$0xFFFFFF00] =	vst v13;
	v9 =	vld [tilespmem:s5+$0x10]  }
0x128: {  	s6 =	sor.u32 $0x70, s17;
	v13 =	vld [tilespmem:s5+$0xFFFFFDEC];
	[tilespmem:s13+$0xC900] =	vst v10  }
0x129: {  	[tilespmem:s0+$0xFFFFFF90] =	vst v11;
	v10 =	vld [tilespmem:s5+$0x99]  }
0x12a: {  	s13 =	sor.u32 $0x60, s1;
	[tilespmem:s14+$0xC900] =	vst v12;
	v11 =	vld [tilespmem:s5+$0x122]  }
0x12b: {  	v12 =	vld [tilespmem:s5+$0xFFFFFE85];
	[tilespmem:s13+$0xC900] =	vst v8  }
0x12c: {  	[tilespmem:s0+$0x10] =	vst v9;
	v8 =	vld [tilespmem:s5+$0x1CB]  }
0x12d: {  	[tilespmem:s0+$0xFFFFFF10] =	vst v13;
	v9 =	vld [tilespmem:s5+$0xFFFFFF0E]  }
0x12e: {  	v13 =	vld [tilespmem:s5+$0xFFFFFDFC];
	[tilespmem:s30+$0xC900] =	vst v10  }
0x12f: {  	v10 =	vld [tilespmem:s5+$0xFFFFFF97];
	[tilespmem:s0+$0x90] =	vst v11  }
0x130: {  	[tilespmem:s12+$0xC900] =	vst v12;
	v11 =	vld [tilespmem:s5+$0x20];
	s12 =	sor.u32 $0x70, s1  }
0x131: {  	v12 =	vld [tilespmem:s5+$0xA9];
	[tilespmem:s12+$0xC900] =	vst v8  }
0x132: {  	[tilespmem:s0+$0xFFFFFFA0] =	vst v9;
	v14 =	vld [tilespmem:s5+$0x132]  }
0x133: {  	[tilespmem:s0+$0xFFFFFF20] =	vst v13;
	v13 =	vld [tilespmem:s5+$0xFFFFFE95]  }
0x134: {  	v15 =	vld [tilespmem:s5+$0xFFFFFE0C];
	[tilespmem:s24+$0xC900] =	vst v10  }
.Ltmp4:
0x135: {  	v8 =	vld [tilespmem:s5+$0xFFFFFF1E];
	[tilespmem:s0+$0x20] =	vst v11;
	(pc) =	sbr.rel @p2 .LBB2_5-.Ltmp4, $4  }
0x136: {  	v9 =	vld [tilespmem:s5+$0xFFFFFFA7];
	[tilespmem:s15+$0xC900] =	vst v12  }
0x137: {  	v10 =	vld [tilespmem:s5+$0x30];
	[tilespmem:s0+$0xA0] =	vst v14  }
0x138: {  	[tilespmem:s31+$0xC900] =	vst v13;
	v11 =	vld [tilespmem:s5+$0xB9]  }
0x139: {  	[tilespmem:s0+$0xFFFFFF30] =	vst v15;
	v12 =	vld [tilespmem:s5+$0x142];
	s5 =	sadd.s32 $0x448, s5  }
.LBB2_6:
0x13a: {  	[tilespmem:s0+$0xFFFFFFB0] =	vst v8  }
0x13b: {  	p2 =	seq.s32 s29, $0x79;
	[tilespmem:s8+$0xC900] =	vst v9  }
0x13c: {  	s30 =	sshll.u32 @!p2 s29, $0xD;
	[tilespmem:s0+$0x30] =	vst v10  }
0x13d: {  	s2 =	simm.s32 @!p2 $0x7A1400;
	s5 =	simm.s32 @!p2 $0x0;
	p3 =	seq.s32 @!p2 s29, $0x0;
	[tilespmem:s6+$0xC900] =	vst v11  }
0x13e: {  	s1 =	sadd.s32 @!p2 s30, s9;
	p3 =	por p2, !p3;
	[tilespmem:s0+$0xB0] =	vst v12;
	s0 =	simm.s32 @!p2 $0x400  }
0x13f: {  	[tilespmem:s5], [sflag:$0x1] =	stream.strided.gather @!p2 [hbm4b:s1+s0], $0x2000, s2, s0, $0x38;
	[tilespmem:$0x10900] =	vst v63  }
0x140: {  	s14 =	sshll.u32 s29, $0x10;
	_ =	swait.ge @p3 [sflag:s25], $0x2000  }
0x141: {  	s31 =	sor.u32 s7, s14;
	[sflag:s25] =	ssyncset.done @p3 $0x0  }
0x142: {  	s0 =	sadd.s32 s3, s31;
	s1 =	simm.s32 $0x0;
	[sflag:s25] =	ssyncadd.s32 @p3 $0xFFFFE000  }
0x143: {  	[hbm4b:s0+s1] =	stream.linear.scatter [tilespmem:s20], [sflag:$0x3], $0x2000, $0x38;
	[tilespmem:$0x10900] =	vst v63  }
0x144: {  	_ =	swait.ge [sflag:s21], $0x2000  }
0x145: {  	[sflag:s21] =	ssyncset.done $0x0  }
0x146: {  	s15 =	simm.s32 $0x2200;
	s14 =	simm.s32 $0x7;
	[sflag:s21] =	ssyncadd.s32 $0xFFFFE000  }
0x147: {  	s16 =	simm.s32 $0x1;
	v9 =	vadd.s32 s14, v0;
	v8 =	vld [tilespmem:s15+$0x180]  }
0x148: {  	s12 =	simm.s32 $0x2;
	v11 =	vadd.s32 s16, v0;
	v10 =	vld [tilespmem:s15+$0xFFFFFE80]  }
0x149: {  	s17 =	simm.s32 $0x3;
	v13 =	vadd.s32 s12, v0;
	v12 =	vld [tilespmem:s15+$0xFFFFFF00]  }
0x14a: {  	s24 =	simm.s32 $0x4;
	v15 =	vadd.s32 s17, v0;
	v14 =	vld [tilespmem:s15+$0xFFFFFF80]  }
0x14b: {  	s28 =	simm.s32 $0x5;
	v17 =	vadd.s32 s24, v0;
	v16 =	vld [tilespmem:s15+$0x0]  }
0x14c: {  	s13 =	simm.s32 $0x6;
	v19 =	vadd.s32 s28, v0;
	v18 =	vld [tilespmem:s15+$0x80];
	[tilespmem:v9+s22+$0x0] =	vst.idx.msk $0xffff, v8  }
0x14d: {  	[tilespmem:v11+s22+$0x0] =	vst.idx.msk $0xffff, v10;
	v10 =	vld [tilespmem:s15+$0x100];
	v11 =	vadd.s32 s13, v0  }
0x14e: {  	[tilespmem:v13+s22+$0x0] =	vst.idx.msk $0xffff, v12;
	v12 =	vld [tilespmem:s15+$0xFFFFFE00];
	v13 =	vadd.s32 s1, v0  }
0x14f: {  	v9 =	vadd.s32 s14, v1;
	[tilespmem:v15+s22+$0x0] =	vst.idx.msk $0xffff, v14;
	v8 =	vld [tilespmem:s15+$0x190]  }
0x150: {  	v15 =	vadd.s32 s16, v1;
	[tilespmem:v17+s22+$0x0] =	vst.idx.msk $0xffff, v16;
	v14 =	vld [tilespmem:s15+$0xFFFFFE90]  }
0x151: {  	v17 =	vadd.s32 s12, v1;
	[tilespmem:v19+s22+$0x0] =	vst.idx.msk $0xffff, v18;
	v16 =	vld [tilespmem:s15+$0xFFFFFF10]  }
0x152: {  	v19 =	vadd.s32 s17, v1;
	v18 =	vld [tilespmem:s15+$0xFFFFFF90];
	[tilespmem:v11+s22+$0x0] =	vst.idx.msk $0xffff, v10  }
0x153: {  	[tilespmem:v13+s22+$0x0] =	vst.idx.msk $0xffff, v12;
	v10 =	vld [tilespmem:s15+$0x10];
	v11 =	vadd.s32 s24, v1  }
0x154: {  	v12 =	vld [tilespmem:s15+$0x90];
	v13 =	vadd.s32 s28, v1;
	[tilespmem:v9+s22+$0x0] =	vst.idx.msk $0xffff, v8  }
0x155: {  	[tilespmem:v15+s22+$0x0] =	vst.idx.msk $0xffff, v14;
	v14 =	vld [tilespmem:s15+$0x110];
	v15 =	vadd.s32 s13, v1  }
0x156: {  	v9 =	vadd.s32 s14, v2;
	[tilespmem:v17+s22+$0x0] =	vst.idx.msk $0xffff, v16;
	v8 =	vld [tilespmem:s15+$0x1A0]  }
0x157: {  	v16 =	vld [tilespmem:s15+$0xFFFFFE10];
	v17 =	vadd.s32 s1, v1;
	[tilespmem:v19+s22+$0x0] =	vst.idx.msk $0xffff, v18  }
0x158: {  	v19 =	vadd.s32 s16, v2;
	v18 =	vld [tilespmem:s15+$0xFFFFFEA0];
	[tilespmem:v11+s22+$0x0] =	vst.idx.msk $0xffff, v10  }
0x159: {  	v10 =	vld [tilespmem:s15+$0xFFFFFF20];
	v11 =	vadd.s32 s12, v2;
	[tilespmem:v13+s22+$0x0] =	vst.idx.msk $0xffff, v12  }
0x15a: {  	v12 =	vld [tilespmem:s15+$0xFFFFFFA0];
	v13 =	vadd.s32 s17, v2;
	[tilespmem:v15+s22+$0x0] =	vst.idx.msk $0xffff, v14  }
0x15b: {  	v14 =	vld [tilespmem:s15+$0x20];
	v15 =	vadd.s32 s24, v2;
	[tilespmem:v9+s22+$0x0] =	vst.idx.msk $0xffff, v8  }
0x15c: {  	[tilespmem:v17+s22+$0x0] =	vst.idx.msk $0xffff, v16;
	v9 =	vadd.s32 s14, v3;
	v8 =	vld [tilespmem:s15+$0x1B0]  }
0x15d: {  	v16 =	vld [tilespmem:s15+$0xA0];
	v17 =	vadd.s32 s28, v2;
	[tilespmem:v19+s22+$0x0] =	vst.idx.msk $0xffff, v18  }
0x15e: {  	v18 =	vld [tilespmem:s15+$0x120];
	v19 =	vadd.s32 s13, v2;
	[tilespmem:v11+s22+$0x0] =	vst.idx.msk $0xffff, v10  }
0x15f: {  	v10 =	vld [tilespmem:s15+$0xFFFFFE20];
	v11 =	vadd.s32 s1, v2;
	[tilespmem:v13+s22+$0x0] =	vst.idx.msk $0xffff, v12  }
0x160: {  	v12 =	vld [tilespmem:s15+$0xFFFFFEB0];
	v13 =	vadd.s32 s16, v3;
	[tilespmem:v15+s22+$0x0] =	vst.idx.msk $0xffff, v14  }
0x161: {  	v14 =	vld [tilespmem:s15+$0xFFFFFF30];
	v15 =	vadd.s32 s12, v3;
	[tilespmem:v9+s22+$0x0] =	vst.idx.msk $0xffff, v8  }
0x162: {  	[tilespmem:v17+s22+$0x0] =	vst.idx.msk $0xffff, v16;
	v9 =	vadd.s32 s14, v4;
	v8 =	vld [tilespmem:s15+$0x1C0]  }
0x163: {  	v16 =	vld [tilespmem:s15+$0xFFFFFFB0];
	v17 =	vadd.s32 s17, v3;
	[tilespmem:v19+s22+$0x0] =	vst.idx.msk $0xffff, v18  }
0x164: {  	v18 =	vld [tilespmem:s15+$0x30];
	v19 =	vadd.s32 s24, v3;
	[tilespmem:v11+s22+$0x0] =	vst.idx.msk $0xffff, v10  }
0x165: {  	[tilespmem:v13+s22+$0x0] =	vst.idx.msk $0xffff, v12;
	v10 =	vld [tilespmem:s15+$0xB0];
	v11 =	vadd.s32 s28, v3  }
0x166: {  	v12 =	vld [tilespmem:s15+$0x130];
	v13 =	vadd.s32 s13, v3;
	[tilespmem:v15+s22+$0x0] =	vst.idx.msk $0xffff, v14  }
0x167: {  	v14 =	vld [tilespmem:s15+$0xFFFFFE30];
	v15 =	vadd.s32 s1, v3;
	[tilespmem:v9+s22+$0x0] =	vst.idx.msk $0xffff, v8  }
0x168: {  	[tilespmem:v17+s22+$0x0] =	vst.idx.msk $0xffff, v16;
	v9 =	vadd.s32 s14, v5;
	v8 =	vld [tilespmem:s15+$0x1D0]  }
0x169: {  	v16 =	vld [tilespmem:s15+$0xFFFFFEC0];
	v17 =	vadd.s32 s16, v4;
	[tilespmem:v19+s22+$0x0] =	vst.idx.msk $0xffff, v18  }
0x16a: {  	v18 =	vld [tilespmem:s15+$0xFFFFFF40];
	v19 =	vadd.s32 s12, v4;
	[tilespmem:v11+s22+$0x0] =	vst.idx.msk $0xffff, v10  }
0x16b: {  	v10 =	vld [tilespmem:s15+$0xFFFFFFC0];
	v11 =	vadd.s32 s17, v4;
	[tilespmem:v13+s22+$0x0] =	vst.idx.msk $0xffff, v12  }
0x16c: {  	v12 =	vld [tilespmem:s15+$0x40];
	v13 =	vadd.s32 s24, v4;
	[tilespmem:v15+s22+$0x0] =	vst.idx.msk $0xffff, v14  }
0x16d: {  	v14 =	vld [tilespmem:s15+$0xC0];
	v15 =	vadd.s32 s28, v4;
	[tilespmem:v9+s22+$0x0] =	vst.idx.msk $0xffff, v8  }
0x16e: {  	[tilespmem:v17+s22+$0x0] =	vst.idx.msk $0xffff, v16;
	v9 =	vadd.s32 s14, v6;
	v8 =	vld [tilespmem:s15+$0x1E0]  }
0x16f: {  	v16 =	vld [tilespmem:s15+$0x140];
	v17 =	vadd.s32 s13, v4;
	[tilespmem:v19+s22+$0x0] =	vst.idx.msk $0xffff, v18  }
0x170: {  	v18 =	vld [tilespmem:s15+$0xFFFFFE40];
	v19 =	vadd.s32 s1, v4;
	[tilespmem:v11+s22+$0x0] =	vst.idx.msk $0xffff, v10  }
0x171: {  	v10 =	vld [tilespmem:s15+$0xFFFFFED0];
	v11 =	vadd.s32 s16, v5;
	[tilespmem:v13+s22+$0x0] =	vst.idx.msk $0xffff, v12  }
0x172: {  	v12 =	vld [tilespmem:s15+$0xFFFFFF50];
	v13 =	vadd.s32 s12, v5;
	[tilespmem:v15+s22+$0x0] =	vst.idx.msk $0xffff, v14  }
0x173: {  	v14 =	vld [tilespmem:s15+$0xFFFFFFD0];
	v15 =	vadd.s32 s17, v5;
	[tilespmem:v9+s22+$0x0] =	vst.idx.msk $0xffff, v8  }
0x174: {  	[tilespmem:v17+s22+$0x0] =	vst.idx.msk $0xffff, v16;
	v9 =	vadd.s32 s14, v7;
	v8 =	vld [tilespmem:s15+$0x1F0]  }
0x175: {  	v16 =	vld [tilespmem:s15+$0x50];
	v17 =	vadd.s32 s24, v5;
	[tilespmem:v19+s22+$0x0] =	vst.idx.msk $0xffff, v18  }
0x176: {  	v18 =	vld [tilespmem:s15+$0xD0];
	v19 =	vadd.s32 s28, v5;
	[tilespmem:v11+s22+$0x0] =	vst.idx.msk $0xffff, v10  }
0x177: {  	v10 =	vld [tilespmem:s15+$0xFFFFFE50];
	v11 =	vadd.s32 s1, v5;
	[tilespmem:v13+s22+$0x0] =	vst.idx.msk $0xffff, v12  }
0x178: {  	v13 =	vadd.s32 s16, v6;
	v12 =	vld [tilespmem:s15+$0xFFFFFEE0];
	[tilespmem:v15+s22+$0x0] =	vst.idx.msk $0xffff, v14  }
0x179: {  	[tilespmem:v9+s22+$0x0] =	vst.idx.msk $0xffff, v8;
	v8 =	vld [tilespmem:s15+$0x150];
	v9 =	vadd.s32 s13, v5  }
0x17a: {  	v14 =	vld [tilespmem:s15+$0xFFFFFF60];
	v15 =	vadd.s32 s12, v6;
	[tilespmem:v17+s22+$0x0] =	vst.idx.msk $0xffff, v16  }
0x17b: {  	v17 =	vadd.s32 s17, v6;
	v16 =	vld [tilespmem:s15+$0xFFFFFFE0];
	[tilespmem:v19+s22+$0x0] =	vst.idx.msk $0xffff, v18  }
0x17c: {  	v18 =	vld [tilespmem:s15+$0x60];
	v19 =	vadd.s32 s24, v6;
	[tilespmem:v11+s22+$0x0] =	vst.idx.msk $0xffff, v10  }
0x17d: {  	v20 =	vadd.s32 s1, v6;
	[tilespmem:v13+s22+$0x0] =	vst.idx.msk $0xffff, v12;
	v13 =	vld [tilespmem:s15+$0xFFFFFE60]  }
0x17e: {  	[tilespmem:v9+s22+$0x0] =	vst.idx.msk $0xffff, v8;
	v8 =	vld [tilespmem:s15+$0xE0];
	v9 =	vadd.s32 s28, v6  }
0x17f: {  	v12 =	vadd.s32 s13, v6;
	[tilespmem:v15+s22+$0x0] =	vst.idx.msk $0xffff, v14;
	v10 =	vld [tilespmem:s15+$0x160]  }
0x180: {  	v22 =	vadd.s32 s16, v7;
	v21 =	vld [tilespmem:s15+$0xFFFFFEF0];
	[tilespmem:v17+s22+$0x0] =	vst.idx.msk $0xffff, v16  }
0x181: {  	v24 =	vadd.s32 s12, v7;
	v23 =	vld [tilespmem:s15+$0xFFFFFF70];
	[tilespmem:v19+s22+$0x0] =	vst.idx.msk $0xffff, v18  }
0x182: {  	v17 =	vadd.s32 s17, v7;
	v15 =	vld [tilespmem:s15+$0xFFFFFFF0];
	[tilespmem:v20+s22+$0x0] =	vst.idx.msk $0xffff, v13  }
0x183: {  	v16 =	vadd.s32 s24, v7;
	v11 =	vld [tilespmem:s15+$0x70];
	[tilespmem:v9+s22+$0x0] =	vst.idx.msk $0xffff, v8  }
0x184: {  	v14 =	vadd.s32 s28, v7;
	[tilespmem:v12+s22+$0x0] =	vst.idx.msk $0xffff, v10;
	v8 =	vld [tilespmem:s15+$0xF0]  }
0x185: {  	s2 =	simm.s32 $0xF;
	[tilespmem:v22+s22+$0x0] =	vst.idx.msk $0xffff, v21;
	v12 =	vadd.s32 s13, v7;
	v9 =	vld [tilespmem:s15+$0x170]  }
0x186: {  	s0 =	simm.s32 $0x8;
	s17 =	simm.s32 $0x10;
	v13 =	vadd.s32 s1, v7;
	s1 =	simm.s32 $0x2600;
	[tilespmem:v24+s22+$0x0] =	vst.idx.msk $0xffff, v23;
	v10 =	vld [tilespmem:s15+$0xFFFFFE70]  }
.LBB2_7:
0x187: {  	p4 =	slt.u32 s17, $0x38;
	s13 =	sadd.s32 $0x1, s0;
	v18 =	vld [tilespmem:s1+$0x180];
	v19 =	vadd.s32 s2, v0;
	[tilespmem:v17+s22+$0x0] =	vst.idx.msk $0xffff, v15;
	s12 =	smov.u32 s0  }
0x188: {  	s0 =	smov.u32 s17;
	v15 =	vld [tilespmem:s1+$0xFFFFFE80];
	v17 =	vadd.s32 s13, v0;
	s24 =	sadd.s32 $0x2, s12;
	[tilespmem:v16+s22+$0x0] =	vst.idx.msk $0xffff, v11  }
0x189: {  	s6 =	sadd.s32 $0x3, s12;
	v11 =	vld [tilespmem:s1+$0xFFFFFF00];
	v16 =	vadd.s32 s24, v0;
	[tilespmem:v14+s22+$0x0] =	vst.idx.msk $0xffff, v8  }
0x18a: {  	s8 =	sadd.s32 $0x4, s12;
	v14 =	vadd.s32 s6, v0;
	v8 =	vld [tilespmem:s1+$0xFFFFFF80];
	[tilespmem:v12+s22+$0x0] =	vst.idx.msk $0xffff, v9  }
0x18b: {  	s14 =	sadd.s32 $0x5, s12;
	v12 =	vadd.s32 s8, v0;
	v9 =	vld [tilespmem:s1+$0x0];
	[tilespmem:v13+s22+$0x0] =	vst.idx.msk $0xffff, v10  }
0x18c: {  	v13 =	vadd.s32 s14, v0;
	v10 =	vld [tilespmem:s1+$0x80];
	[tilespmem:v19+s22+$0x0] =	vst.idx.msk $0xffff, v18  }
0x18d: {  	s5 =	sadd.s32 $0x6, s12;
	[tilespmem:v17+s22+$0x0] =	vst.idx.msk $0xffff, v15;
	v15 =	vld [tilespmem:s1+$0x190];
	v17 =	vadd.s32 s2, v1  }
0x18e: {  	[tilespmem:v16+s22+$0x0] =	vst.idx.msk $0xffff, v11;
	v11 =	vld [tilespmem:s1+$0x100];
	v16 =	vadd.s32 s5, v0  }
0x18f: {  	v19 =	vadd.s32 s12, v0;
	v18 =	vld [tilespmem:s1+$0xFFFFFE00];
	[tilespmem:v14+s22+$0x0] =	vst.idx.msk $0xffff, v8  }
0x190: {  	v14 =	vadd.s32 s13, v1;
	v8 =	vld [tilespmem:s1+$0xFFFFFE90];
	[tilespmem:v12+s22+$0x0] =	vst.idx.msk $0xffff, v9  }
0x191: {  	v12 =	vadd.s32 s24, v1;
	v9 =	vld [tilespmem:s1+$0xFFFFFF10];
	[tilespmem:v13+s22+$0x0] =	vst.idx.msk $0xffff, v10  }
0x192: {  	v13 =	vadd.s32 s6, v1;
	v10 =	vld [tilespmem:s1+$0xFFFFFF90];
	[tilespmem:v17+s22+$0x0] =	vst.idx.msk $0xffff, v15  }
0x193: {  	v15 =	vadd.s32 s2, v2;
	[tilespmem:v16+s22+$0x0] =	vst.idx.msk $0xffff, v11;
	v11 =	vld [tilespmem:s1+$0x1A0]  }
0x194: {  	v17 =	vadd.s32 s8, v1;
	[tilespmem:v19+s22+$0x0] =	vst.idx.msk $0xffff, v18;
	v16 =	vld [tilespmem:s1+$0x10]  }
0x195: {  	[tilespmem:v14+s22+$0x0] =	vst.idx.msk $0xffff, v8;
	v8 =	vld [tilespmem:s1+$0x90];
	v14 =	vadd.s32 s14, v1  }
0x196: {  	[tilespmem:v12+s22+$0x0] =	vst.idx.msk $0xffff, v9;
	v9 =	vld [tilespmem:s1+$0x110];
	v12 =	vadd.s32 s5, v1  }
0x197: {  	v19 =	vadd.s32 s12, v1;
	v18 =	vld [tilespmem:s1+$0xFFFFFE10];
	[tilespmem:v13+s22+$0x0] =	vst.idx.msk $0xffff, v10  }
0x198: {  	v13 =	vadd.s32 s13, v2;
	v10 =	vld [tilespmem:s1+$0xFFFFFEA0];
	[tilespmem:v15+s22+$0x0] =	vst.idx.msk $0xffff, v11  }
0x199: {  	v15 =	vadd.s32 s2, v3;
	[tilespmem:v17+s22+$0x0] =	vst.idx.msk $0xffff, v16;
	v11 =	vld [tilespmem:s1+$0x1B0]  }
0x19a: {  	v17 =	vadd.s32 s24, v2;
	v16 =	vld [tilespmem:s1+$0xFFFFFF20];
	[tilespmem:v14+s22+$0x0] =	vst.idx.msk $0xffff, v8  }
0x19b: {  	v14 =	vadd.s32 s6, v2;
	v8 =	vld [tilespmem:s1+$0xFFFFFFA0];
	[tilespmem:v12+s22+$0x0] =	vst.idx.msk $0xffff, v9  }
0x19c: {  	v12 =	vadd.s32 s8, v2;
	[tilespmem:v19+s22+$0x0] =	vst.idx.msk $0xffff, v18;
	v9 =	vld [tilespmem:s1+$0x20]  }
0x19d: {  	[tilespmem:v13+s22+$0x0] =	vst.idx.msk $0xffff, v10;
	v10 =	vld [tilespmem:s1+$0xA0];
	v13 =	vadd.s32 s14, v2  }
0x19e: {  	v19 =	vadd.s32 s5, v2;
	v18 =	vld [tilespmem:s1+$0x120];
	[tilespmem:v15+s22+$0x0] =	vst.idx.msk $0xffff, v11  }
0x19f: {  	v15 =	vadd.s32 s2, v4;
	[tilespmem:v17+s22+$0x0] =	vst.idx.msk $0xffff, v16;
	v11 =	vld [tilespmem:s1+$0x1C0]  }
0x1a0: {  	v17 =	vadd.s32 s12, v2;
	v16 =	vld [tilespmem:s1+$0xFFFFFE20];
	[tilespmem:v14+s22+$0x0] =	vst.idx.msk $0xffff, v8  }
0x1a1: {  	v14 =	vadd.s32 s13, v3;
	v8 =	vld [tilespmem:s1+$0xFFFFFEB0];
	[tilespmem:v12+s22+$0x0] =	vst.idx.msk $0xffff, v9  }
0x1a2: {  	v12 =	vadd.s32 s24, v3;
	v9 =	vld [tilespmem:s1+$0xFFFFFF30];
	[tilespmem:v13+s22+$0x0] =	vst.idx.msk $0xffff, v10  }
0x1a3: {  	v13 =	vadd.s32 s6, v3;
	v10 =	vld [tilespmem:s1+$0xFFFFFFB0];
	[tilespmem:v19+s22+$0x0] =	vst.idx.msk $0xffff, v18  }
0x1a4: {  	v19 =	vadd.s32 s8, v3;
	v18 =	vld [tilespmem:s1+$0x30];
	[tilespmem:v15+s22+$0x0] =	vst.idx.msk $0xffff, v11  }
0x1a5: {  	v15 =	vadd.s32 s2, v5;
	[tilespmem:v17+s22+$0x0] =	vst.idx.msk $0xffff, v16;
	v11 =	vld [tilespmem:s1+$0x1D0]  }
0x1a6: {  	[tilespmem:v14+s22+$0x0] =	vst.idx.msk $0xffff, v8;
	v8 =	vld [tilespmem:s1+$0xB0];
	v14 =	vadd.s32 s14, v3  }
0x1a7: {  	[tilespmem:v12+s22+$0x0] =	vst.idx.msk $0xffff, v9;
	v9 =	vld [tilespmem:s1+$0x130];
	v12 =	vadd.s32 s5, v3  }
0x1a8: {  	v17 =	vadd.s32 s12, v3;
	v16 =	vld [tilespmem:s1+$0xFFFFFE30];
	[tilespmem:v13+s22+$0x0] =	vst.idx.msk $0xffff, v10  }
0x1a9: {  	v13 =	vadd.s32 s13, v4;
	v10 =	vld [tilespmem:s1+$0xFFFFFEC0];
	[tilespmem:v19+s22+$0x0] =	vst.idx.msk $0xffff, v18  }
0x1aa: {  	v19 =	vadd.s32 s24, v4;
	v18 =	vld [tilespmem:s1+$0xFFFFFF40];
	[tilespmem:v15+s22+$0x0] =	vst.idx.msk $0xffff, v11  }
0x1ab: {  	v11 =	vadd.s32 s2, v6;
	[tilespmem:v14+s22+$0x0] =	vst.idx.msk $0xffff, v8;
	v8 =	vld [tilespmem:s1+$0x1E0]  }
0x1ac: {  	v15 =	vadd.s32 s6, v4;
	v14 =	vld [tilespmem:s1+$0xFFFFFFC0];
	[tilespmem:v12+s22+$0x0] =	vst.idx.msk $0xffff, v9  }
0x1ad: {  	v12 =	vadd.s32 s8, v4;
	[tilespmem:v17+s22+$0x0] =	vst.idx.msk $0xffff, v16;
	v9 =	vld [tilespmem:s1+$0x40]  }
0x1ae: {  	[tilespmem:v13+s22+$0x0] =	vst.idx.msk $0xffff, v10;
	v10 =	vld [tilespmem:s1+$0xC0];
	v13 =	vadd.s32 s14, v4  }
0x1af: {  	v17 =	vadd.s32 s5, v4;
	[tilespmem:v19+s22+$0x0] =	vst.idx.msk $0xffff, v18;
	v16 =	vld [tilespmem:s1+$0x140]  }
0x1b0: {  	v19 =	vadd.s32 s12, v4;
	v18 =	vld [tilespmem:s1+$0xFFFFFE40];
	[tilespmem:v11+s22+$0x0] =	vst.idx.msk $0xffff, v8  }
0x1b1: {  	v11 =	vadd.s32 s2, v7;
	[tilespmem:v15+s22+$0x0] =	vst.idx.msk $0xffff, v14;
	v8 =	vld [tilespmem:s1+$0x1F0]  }
0x1b2: {  	v15 =	vadd.s32 s13, v5;
	v14 =	vld [tilespmem:s1+$0xFFFFFED0];
	[tilespmem:v12+s22+$0x0] =	vst.idx.msk $0xffff, v9  }
0x1b3: {  	v12 =	vadd.s32 s24, v5;
	v9 =	vld [tilespmem:s1+$0xFFFFFF50];
	[tilespmem:v13+s22+$0x0] =	vst.idx.msk $0xffff, v10  }
0x1b4: {  	v13 =	vadd.s32 s6, v5;
	v10 =	vld [tilespmem:s1+$0xFFFFFFD0];
	[tilespmem:v17+s22+$0x0] =	vst.idx.msk $0xffff, v16  }
0x1b5: {  	v17 =	vadd.s32 s8, v5;
	[tilespmem:v19+s22+$0x0] =	vst.idx.msk $0xffff, v18;
	v16 =	vld [tilespmem:s1+$0x50]  }
0x1b6: {  	v19 =	vadd.s32 s14, v5;
	v18 =	vld [tilespmem:s1+$0xD0];
	[tilespmem:v11+s22+$0x0] =	vst.idx.msk $0xffff, v8  }
0x1b7: {  	v11 =	vadd.s32 s5, v5;
	[tilespmem:v15+s22+$0x0] =	vst.idx.msk $0xffff, v14;
	v8 =	vld [tilespmem:s1+$0x150]  }
0x1b8: {  	v15 =	vadd.s32 s12, v5;
	v14 =	vld [tilespmem:s1+$0xFFFFFE50];
	[tilespmem:v12+s22+$0x0] =	vst.idx.msk $0xffff, v9  }
0x1b9: {  	v12 =	vadd.s32 s13, v6;
	v9 =	vld [tilespmem:s1+$0xFFFFFEE0];
	[tilespmem:v13+s22+$0x0] =	vst.idx.msk $0xffff, v10  }
0x1ba: {  	v13 =	vadd.s32 s24, v6;
	v10 =	vld [tilespmem:s1+$0xFFFFFF60];
	[tilespmem:v17+s22+$0x0] =	vst.idx.msk $0xffff, v16  }
0x1bb: {  	v17 =	vadd.s32 s6, v6;
	v16 =	vld [tilespmem:s1+$0xFFFFFFE0];
	[tilespmem:v19+s22+$0x0] =	vst.idx.msk $0xffff, v18  }
0x1bc: {  	v19 =	vadd.s32 s8, v6;
	v18 =	vld [tilespmem:s1+$0x60];
	[tilespmem:v11+s22+$0x0] =	vst.idx.msk $0xffff, v8  }
0x1bd: {  	v11 =	vadd.s32 s14, v6;
	[tilespmem:v15+s22+$0x0] =	vst.idx.msk $0xffff, v14;
	v8 =	vld [tilespmem:s1+$0xE0]  }
0x1be: {  	[tilespmem:v12+s22+$0x0] =	vst.idx.msk $0xffff, v9;
	v9 =	vld [tilespmem:s1+$0x160];
	v12 =	vadd.s32 s5, v6  }
0x1bf: {  	v20 =	vadd.s32 s12, v6;
	v14 =	vld [tilespmem:s1+$0xFFFFFE60];
	[tilespmem:v13+s22+$0x0] =	vst.idx.msk $0xffff, v10  }
0x1c0: {  	v13 =	vadd.s32 s13, v7;
	v10 =	vld [tilespmem:s1+$0xFFFFFEF0];
	[tilespmem:v17+s22+$0x0] =	vst.idx.msk $0xffff, v16  }
0x1c1: {  	v22 =	vadd.s32 s24, v7;
	v21 =	vld [tilespmem:s1+$0xFFFFFF70];
	[tilespmem:v19+s22+$0x0] =	vst.idx.msk $0xffff, v18  }
.Ltmp5:
0x1c2: {  	v17 =	vadd.s32 s6, v7;
	v15 =	vld [tilespmem:s1+$0xFFFFFFF0];
	[tilespmem:v11+s22+$0x0] =	vst.idx.msk $0xffff, v8;
	(pc) =	sbr.rel @p4 .LBB2_7-.Ltmp5, $4  }
0x1c3: {  	v16 =	vadd.s32 s8, v7;
	v11 =	vld [tilespmem:s1+$0x70];
	[tilespmem:v12+s22+$0x0] =	vst.idx.msk $0xffff, v9  }
0x1c4: {  	[tilespmem:v20+s22+$0x0] =	vst.idx.msk $0xffff, v14;
	v8 =	vld [tilespmem:s1+$0xF0];
	v14 =	vadd.s32 s14, v7  }
0x1c5: {  	v12 =	vadd.s32 s5, v7;
	[tilespmem:v13+s22+$0x0] =	vst.idx.msk $0xffff, v10;
	v9 =	vld [tilespmem:s1+$0x170]  }
0x1c6: {  	s17 =	sadd.s32 $0x8, s17;
	s2 =	sadd.s32 $0x7, s0;
	v13 =	vadd.s32 s12, v7;
	v10 =	vld [tilespmem:s1+$0xFFFFFE70];
	[tilespmem:v22+s22+$0x0] =	vst.idx.msk $0xffff, v21;
	s1 =	sadd.s32 $0x400, s1  }
0x1c7: {  	_ =	sdelay $0x3  }
0x1c8: {  	v18 =	vld [tilespmem:s1+$0x180];
	v19 =	vadd.s32 s2, v0;
	[tilespmem:v17+s22+$0x0] =	vst.idx.msk $0xffff, v15  }
0x1c9: {  	s5 =	sadd.s32 $0x1, s0;
	v32 =	vld [tilespmem:s1+$0xFFFFFE00];
	v33 =	vadd.s32 s0, v0;
	[tilespmem:v16+s22+$0x0] =	vst.idx.msk $0xffff, v11  }
0x1ca: {  	v15 =	vld [tilespmem:s1+$0xFFFFFE80];
	s6 =	sadd.s32 $0x2, s0;
	v28 =	vadd.s32 s5, v0;
	[tilespmem:v14+s22+$0x0] =	vst.idx.msk $0xffff, v8  }
0x1cb: {  	s8 =	sadd.s32 $0x3, s0;
	v11 =	vld [tilespmem:s1+$0xFFFFFF00];
	v29 =	vadd.s32 s6, v0;
	[tilespmem:v12+s22+$0x0] =	vst.idx.msk $0xffff, v9  }
0x1cc: {  	s12 =	sadd.s32 $0x4, s0;
	v8 =	vld [tilespmem:s1+$0xFFFFFF80];
	v14 =	vadd.s32 s8, v0;
	[tilespmem:v13+s22+$0x0] =	vst.idx.msk $0xffff, v10  }
0x1cd: {  	s13 =	sadd.s32 $0x5, s0;
	v9 =	vld [tilespmem:s1+$0x0];
	v12 =	vadd.s32 s12, v0;
	[tilespmem:v19+s22+$0x0] =	vst.idx.msk $0xffff, v18  }
0x1ce: {  	v10 =	vld [tilespmem:s1+$0x80];
	v13 =	vadd.s32 s13, v0;
	[tilespmem:v33+s22+$0x0] =	vst.idx.msk $0xffff, v32  }
0x1cf: {  	s14 =	sadd.s32 $0x6, s0;
	v30 =	vadd.s32 s2, v1;
	[tilespmem:v28+s22+$0x0] =	vst.idx.msk $0xffff, v15;
	v15 =	vld [tilespmem:s1+$0x190]  }
0x1d0: {  	v31 =	vadd.s32 s14, v0;
	[tilespmem:v29+s22+$0x0] =	vst.idx.msk $0xffff, v11;
	v11 =	vld [tilespmem:s1+$0x100]  }
0x1d1: {  	[tilespmem:v14+s22+$0x0] =	vst.idx.msk $0xffff, v8;
	v8 =	vld [tilespmem:s1+$0xFFFFFE90];
	v14 =	vadd.s32 s5, v1  }
0x1d2: {  	v36 =	vadd.s32 s0, v1;
	v18 =	vld [tilespmem:s1+$0xFFFFFE10];
	[tilespmem:v12+s22+$0x0] =	vst.idx.msk $0xffff, v9  }
0x1d3: {  	v9 =	vld [tilespmem:s1+$0xFFFFFF10];
	v12 =	vadd.s32 s6, v1;
	[tilespmem:v13+s22+$0x0] =	vst.idx.msk $0xffff, v10  }
0x1d4: {  	v10 =	vld [tilespmem:s1+$0xFFFFFF90];
	v13 =	vadd.s32 s8, v1;
	[tilespmem:v30+s22+$0x0] =	vst.idx.msk $0xffff, v15  }
0x1d5: {  	[tilespmem:v31+s22+$0x0] =	vst.idx.msk $0xffff, v11;
	v15 =	vadd.s32 s2, v2;
	v11 =	vld [tilespmem:s1+$0x1A0]  }
0x1d6: {  	[tilespmem:v14+s22+$0x0] =	vst.idx.msk $0xffff, v8;
	v8 =	vld [tilespmem:s1+$0x90];
	v14 =	vadd.s32 s13, v1  }
0x1d7: {  	v35 =	vadd.s32 s12, v1;
	v34 =	vld [tilespmem:s1+$0x10];
	[tilespmem:v36+s22+$0x0] =	vst.idx.msk $0xffff, v18  }
0x1d8: {  	[tilespmem:v12+s22+$0x0] =	vst.idx.msk $0xffff, v9;
	v9 =	vld [tilespmem:s1+$0x110];
	v12 =	vadd.s32 s14, v1  }
0x1d9: {  	[tilespmem:v13+s22+$0x0] =	vst.idx.msk $0xffff, v10;
	v10 =	vld [tilespmem:s1+$0xFFFFFEA0];
	v13 =	vadd.s32 s5, v2  }
0x1da: {  	v38 =	vadd.s32 s6, v2;
	v37 =	vld [tilespmem:s1+$0xFFFFFF20];
	[tilespmem:v15+s22+$0x0] =	vst.idx.msk $0xffff, v11  }
0x1db: {  	[tilespmem:v14+s22+$0x0] =	vst.idx.msk $0xffff, v8;
	v8 =	vld [tilespmem:s1+$0xFFFFFFA0];
	v14 =	vadd.s32 s8, v2  }
0x1dc: {  	[tilespmem:v35+s22+$0x0] =	vst.idx.msk $0xffff, v34;
	v15 =	vadd.s32 s2, v3;
	v11 =	vld [tilespmem:s1+$0x1B0]  }
0x1dd: {  	[tilespmem:v12+s22+$0x0] =	vst.idx.msk $0xffff, v9;
	v9 =	vld [tilespmem:s1+$0x20];
	v12 =	vadd.s32 s12, v2  }
0x1de: {  	v42 =	vadd.s32 s0, v2;
	v41 =	vld [tilespmem:s1+$0xFFFFFE20];
	[tilespmem:v13+s22+$0x0] =	vst.idx.msk $0xffff, v10  }
0x1df: {  	v10 =	vld [tilespmem:s1+$0xA0];
	v13 =	vadd.s32 s13, v2;
	[tilespmem:v38+s22+$0x0] =	vst.idx.msk $0xffff, v37  }
0x1e0: {  	v40 =	vadd.s32 s14, v2;
	v39 =	vld [tilespmem:s1+$0x120];
	[tilespmem:v14+s22+$0x0] =	vst.idx.msk $0xffff, v8  }
0x1e1: {  	v8 =	vld [tilespmem:s1+$0xFFFFFEB0];
	v14 =	vadd.s32 s5, v3;
	[tilespmem:v15+s22+$0x0] =	vst.idx.msk $0xffff, v11  }
0x1e2: {  	[tilespmem:v12+s22+$0x0] =	vst.idx.msk $0xffff, v9;
	v9 =	vld [tilespmem:s1+$0xFFFFFF30];
	v12 =	vadd.s32 s6, v3  }
0x1e3: {  	[tilespmem:v42+s22+$0x0] =	vst.idx.msk $0xffff, v41;
	v15 =	vadd.s32 s2, v4;
	v11 =	vld [tilespmem:s1+$0x1C0]  }
0x1e4: {  	v45 =	vadd.s32 s0, v3;
	v16 =	vld [tilespmem:s1+$0xFFFFFE30];
	[tilespmem:v13+s22+$0x0] =	vst.idx.msk $0xffff, v10  }
0x1e5: {  	v10 =	vld [tilespmem:s1+$0xFFFFFFB0];
	v13 =	vadd.s32 s8, v3;
	[tilespmem:v40+s22+$0x0] =	vst.idx.msk $0xffff, v39  }
0x1e6: {  	v44 =	vadd.s32 s12, v3;
	v43 =	vld [tilespmem:s1+$0x30];
	[tilespmem:v14+s22+$0x0] =	vst.idx.msk $0xffff, v8  }
0x1e7: {  	v8 =	vld [tilespmem:s1+$0xB0];
	v14 =	vadd.s32 s13, v3;
	[tilespmem:v12+s22+$0x0] =	vst.idx.msk $0xffff, v9  }
0x1e8: {  	v9 =	vld [tilespmem:s1+$0x130];
	v12 =	vadd.s32 s14, v3;
	[tilespmem:v15+s22+$0x0] =	vst.idx.msk $0xffff, v11  }
0x1e9: {  	[tilespmem:v45+s22+$0x0] =	vst.idx.msk $0xffff, v16;
	v15 =	vadd.s32 s2, v5;
	v11 =	vld [tilespmem:s1+$0x1D0]  }
0x1ea: {  	v51 =	vadd.s32 s0, v4;
	v50 =	vld [tilespmem:s1+$0xFFFFFE40];
	[tilespmem:v13+s22+$0x0] =	vst.idx.msk $0xffff, v10  }
0x1eb: {  	v10 =	vld [tilespmem:s1+$0xFFFFFEC0];
	v13 =	vadd.s32 s5, v4;
	[tilespmem:v44+s22+$0x0] =	vst.idx.msk $0xffff, v43  }
0x1ec: {  	v47 =	vadd.s32 s6, v4;
	v46 =	vld [tilespmem:s1+$0xFFFFFF40];
	[tilespmem:v14+s22+$0x0] =	vst.idx.msk $0xffff, v8  }
0x1ed: {  	[tilespmem:v12+s22+$0x0] =	vst.idx.msk $0xffff, v9;
	v9 =	vld [tilespmem:s1+$0x40];
	v12 =	vadd.s32 s12, v4  }
0x1ee: {  	v14 =	vld [tilespmem:s1+$0xFFFFFFC0];
	[tilespmem:v15+s22+$0x0] =	vst.idx.msk $0xffff, v11;
	v15 =	vadd.s32 s8, v4  }
0x1ef: {  	[tilespmem:v51+s22+$0x0] =	vst.idx.msk $0xffff, v50;
	v11 =	vadd.s32 s2, v6;
	v8 =	vld [tilespmem:s1+$0x1E0]  }
0x1f0: {  	[tilespmem:v13+s22+$0x0] =	vst.idx.msk $0xffff, v10;
	v10 =	vld [tilespmem:s1+$0xC0];
	v13 =	vadd.s32 s13, v4  }
0x1f1: {  	v49 =	vadd.s32 s14, v4;
	[tilespmem:v47+s22+$0x0] =	vst.idx.msk $0xffff, v46;
	v48 =	vld [tilespmem:s1+$0x140]  }
0x1f2: {  	[tilespmem:v12+s22+$0x0] =	vst.idx.msk $0xffff, v9;
	v9 =	vld [tilespmem:s1+$0xFFFFFF50];
	v12 =	vadd.s32 s6, v5  }
0x1f3: {  	[tilespmem:v15+s22+$0x0] =	vst.idx.msk $0xffff, v14;
	v14 =	vld [tilespmem:s1+$0xFFFFFED0];
	v15 =	vadd.s32 s5, v5  }
0x1f4: {  	v53 =	vadd.s32 s12, v5;
	v52 =	vld [tilespmem:s1+$0x50];
	[tilespmem:v11+s22+$0x0] =	vst.idx.msk $0xffff, v8  }
0x1f5: {  	[tilespmem:v13+s22+$0x0] =	vst.idx.msk $0xffff, v10;
	v11 =	vadd.s32 s2, v7;
	v8 =	vld [tilespmem:s1+$0x1F0]  }
0x1f6: {  	v13 =	vadd.s32 s8, v5;
	[tilespmem:v49+s22+$0x0] =	vst.idx.msk $0xffff, v48;
	v10 =	vld [tilespmem:s1+$0xFFFFFFD0]  }
0x1f7: {  	v55 =	vadd.s32 s13, v5;
	v54 =	vld [tilespmem:s1+$0xD0];
	[tilespmem:v12+s22+$0x0] =	vst.idx.msk $0xffff, v9  }
0x1f8: {  	[tilespmem:v15+s22+$0x0] =	vst.idx.msk $0xffff, v14;
	v14 =	vld [tilespmem:s1+$0xFFFFFE50];
	v15 =	vadd.s32 s0, v5  }
0x1f9: {  	v12 =	vadd.s32 s5, v6;
	[tilespmem:v53+s22+$0x0] =	vst.idx.msk $0xffff, v52;
	v9 =	vld [tilespmem:s1+$0xFFFFFEE0]  }
0x1fa: {  	[tilespmem:v11+s22+$0x0] =	vst.idx.msk $0xffff, v8;
	v8 =	vld [tilespmem:s1+$0x150];
	v11 =	vadd.s32 s14, v5  }
0x1fb: {  	[tilespmem:v13+s22+$0x0] =	vst.idx.msk $0xffff, v10;
	v10 =	vld [tilespmem:s1+$0xFFFFFF60];
	v13 =	vadd.s32 s6, v6  }
0x1fc: {  	v59 =	vadd.s32 s12, v6;
	[tilespmem:v55+s22+$0x0] =	vst.idx.msk $0xffff, v54;
	v58 =	vld [tilespmem:s1+$0x60]  }
0x1fd: {  	v57 =	vadd.s32 s8, v6;
	v56 =	vld [tilespmem:s1+$0xFFFFFFE0];
	[tilespmem:v15+s22+$0x0] =	vst.idx.msk $0xffff, v14  }
0x1fe: {  	v15 =	vadd.s32 s0, v6;
	[tilespmem:v12+s22+$0x0] =	vst.idx.msk $0xffff, v9;
	v14 =	vld [tilespmem:s1+$0xFFFFFE60]  }
0x1ff: {  	[tilespmem:v11+s22+$0x0] =	vst.idx.msk $0xffff, v8;
	v8 =	vld [tilespmem:s1+$0xE0];
	v11 =	vadd.s32 s13, v6  }
0x200: {  	[tilespmem:v13+s22+$0x0] =	vst.idx.msk $0xffff, v10;
	v13 =	vadd.s32 s5, v7;
	v10 =	vld [tilespmem:s1+$0xFFFFFEF0]  }
0x201: {  	[tilespmem:v59+s22+$0x0] =	vst.idx.msk $0xffff, v58;
	v12 =	vadd.s32 s14, v6;
	v9 =	vld [tilespmem:s1+$0x160]  }
0x202: {  	v61 =	vadd.s32 s6, v7;
	[tilespmem:v57+s22+$0x0] =	vst.idx.msk $0xffff, v56;
	v60 =	vld [tilespmem:s1+$0xFFFFFF70]  }
0x203: {  	v63 =	vadd.s32 s8, v7;
	v62 =	vld [tilespmem:s1+$0xFFFFFFF0];
	[tilespmem:v15+s22+$0x0] =	vst.idx.msk $0xffff, v14  }
0x204: {  	[tilespmem:v11+s22+$0x0] =	vst.idx.msk $0xffff, v8;
	v8 =	vld [tilespmem:s1+$0x70];
	v11 =	vadd.s32 s12, v7  }
0x205: {  	v15 =	vadd.s32 s0, v7;
	[tilespmem:v13+s22+$0x0] =	vst.idx.msk $0xffff, v10;
	v14 =	vld [tilespmem:s1+$0xFFFFFE70]  }
0x206: {  	[tilespmem:v12+s22+$0x0] =	vst.idx.msk $0xffff, v9;
	v9 =	vld [tilespmem:s1+$0xF0];
	v12 =	vadd.s32 s13, v7  }
0x207: {  	v13 =	vadd.s32 s14, v7;
	[tilespmem:v61+s22+$0x0] =	vst.idx.msk $0xffff, v60;
	v10 =	vld [tilespmem:s1+$0x170]  }
0x208: {  	[tilespmem:v63+s22+$0x0] =	vst.idx.msk $0xffff, v62  }
0x209: {  	[tilespmem:v11+s22+$0x0] =	vst.idx.msk $0xffff, v8  }
0x20a: {  	[tilespmem:v15+s22+$0x0] =	vst.idx.msk $0xffff, v14  }
0x20b: {  	[tilespmem:v12+s22+$0x0] =	vst.idx.msk $0xffff, v9  }
0x20c: {  	s5 =	simm.s32 $0x86A4;
	[tilespmem:v13+s22+$0x0] =	vst.idx.msk $0xffff, v10  }
0x20d: {  	v8 =	vld [tilespmem:s5+$0x19B]  }
0x20e: {  	v9 =	vld [tilespmem:s5+$0xFFFFFE65]  }
0x20f: {  	v10 =	vld [tilespmem:s5+$0xFFFFFEEE]  }
0x210: {  	v11 =	vld [tilespmem:s5+$0xFFFFFF77]  }
0x211: {  	s0 =	simm.s32 $0xEA00;
	v12 =	vld [tilespmem:s5+$0x0]  }
0x212: {  	v13 =	vld [tilespmem:s5+$0x89];
	[tilespmem:s0+$0xC0] =	vst v8  }
0x213: {  	[tilespmem:s0+$0xFFFFFF40] =	vst v9;
	v9 =	vld [tilespmem:s5+$0x112]  }
0x214: {  	[tilespmem:s0+$0xFFFFFF80] =	vst v10;
	v10 =	vld [tilespmem:s5+$0xFFFFFDDC]  }
0x215: {  	[tilespmem:s0+$0xFFFFFFC0] =	vst v11;
	v8 =	vld [tilespmem:s5+$0x1AB]  }
0x216: {  	[tilespmem:s0+$0x0] =	vst v12;
	v11 =	vld [tilespmem:s5+$0xFFFFFE75]  }
0x217: {  	[tilespmem:s0+$0x40] =	vst v13;
	v12 =	vld [tilespmem:s5+$0xFFFFFEFE]  }
0x218: {  	s1 =	simm.s32 $0x1C0;
	v13 =	vld [tilespmem:s5+$0xFFFFFF87];
	[tilespmem:s0+$0x80] =	vst v9  }
0x219: {  	s2 =	simm.s32 $0x40;
	s17 =	sor.u32 $0x50, s1;
	[tilespmem:s0+$0xFFFFFF00] =	vst v10;
	v9 =	vld [tilespmem:s5+$0x10]  }
0x21a: {  	s24 =	sor.u32 $0x50, s2;
	[tilespmem:s17+$0xE900] =	vst v8;
	v10 =	vld [tilespmem:s5+$0xFFFFFDEC]  }
0x21b: {  	s8 =	simm.s32 $0xC0;
	[tilespmem:s24+$0xE900] =	vst v11;
	v11 =	vld [tilespmem:s5+$0x99]  }
0x21c: {  	s28 =	sor.u32 $0x50, s8;
	[tilespmem:s0+$0xFFFFFF90] =	vst v12;
	v12 =	vld [tilespmem:s5+$0x122]  }
0x21d: {  	[tilespmem:s28+$0xE900] =	vst v13;
	v8 =	vld [tilespmem:s5+$0x1BB]  }
0x21e: {  	s13 =	simm.s32 $0x140;
	v13 =	vld [tilespmem:s5+$0xFFFFFE85];
	[tilespmem:s0+$0x10] =	vst v9  }
0x21f: {  	s14 =	sor.u32 $0x50, s13;
	v9 =	vld [tilespmem:s5+$0xFFFFFF0E];
	[tilespmem:s0+$0xFFFFFF10] =	vst v10  }
0x220: {  	[tilespmem:s14+$0xE900] =	vst v11;
	v11 =	vld [tilespmem:s5+$0xFFFFFF97]  }
0x221: {  	s12 =	sor.u32 $0x60, s1;
	[tilespmem:s0+$0x90] =	vst v12;
	v10 =	vld [tilespmem:s5+$0xFFFFFDFC]  }
0x222: {  	s15 =	sor.u32 $0x60, s2;
	v12 =	vld [tilespmem:s5+$0x20];
	[tilespmem:s12+$0xE900] =	vst v8  }
0x223: {  	[tilespmem:s15+$0xE900] =	vst v13;
	v8 =	vld [tilespmem:s5+$0x1CB]  }
0x224: {  	s17 =	sor.u32 $0x60, s8;
	v13 =	vld [tilespmem:s5+$0xA9];
	[tilespmem:s0+$0xFFFFFFA0] =	vst v9  }
0x225: {  	v14 =	vld [tilespmem:s5+$0x132];
	[tilespmem:s17+$0xE900] =	vst v11  }
0x226: {  	v15 =	vld [tilespmem:s5+$0xFFFFFE95];
	[tilespmem:s0+$0xFFFFFF20] =	vst v10  }
0x227: {  	p4 =	por $0x1, $0x1;
	s16 =	sor.u32 $0x70, s1;
	[tilespmem:s0+$0x20] =	vst v12;
	v16 =	vld [tilespmem:s5+$0xFFFFFE0C]  }
.Ltmp6:
0x228: {  	s24 =	sor.u32 $0x60, s13;
	[tilespmem:s16+$0xE900] =	vst v8;
	v8 =	vld [tilespmem:s5+$0xFFFFFF1E];
	(pc) =	sbr.rel @!p4 .LBB2_10-.Ltmp6, $4  }
0x229: {  	v9 =	vld [tilespmem:s5+$0xFFFFFFA7];
	[tilespmem:s24+$0xE900] =	vst v13  }
0x22a: {  	s28 =	sor.u32 $0x70, s2;
	v10 =	vld [tilespmem:s5+$0x30];
	[tilespmem:s0+$0xA0] =	vst v14  }
0x22b: {  	s6 =	sor.u32 $0x70, s13;
	[tilespmem:s28+$0xE900] =	vst v15;
	v11 =	vld [tilespmem:s5+$0xB9]  }
0x22c: {  	s2 =	simm.s32 $0x0;
	s8 =	sor.u32 $0x70, s8;
	v12 =	vld [tilespmem:s5+$0x142];
	s5 =	simm.s32 $0x8AEC;
	[tilespmem:s0+$0xFFFFFF30] =	vst v16  }
.LBB2_9:
0x22d: {  	v13 =	vld [tilespmem:s5+$0x19B];
	s2 =	sadd.s32 $0x8, s2;
	[tilespmem:s0+$0xFFFFFFB0] =	vst v8  }
0x22e: {  	v8 =	vld [tilespmem:s5+$0xFFFFFE65];
	p4 =	slt.u32 s2, $0x78;
	[tilespmem:s8+$0xE900] =	vst v9  }
0x22f: {  	v9 =	vld [tilespmem:s5+$0xFFFFFEEE];
	[tilespmem:s0+$0x30] =	vst v10  }
0x230: {  	v10 =	vld [tilespmem:s5+$0xFFFFFF77];
	[tilespmem:s6+$0xE900] =	vst v11  }
0x231: {  	v11 =	vld [tilespmem:s5+$0x0];
	[tilespmem:s0+$0xB0] =	vst v12;
	s0 =	sadd.s32 $0x200, s0  }
0x232: {  	v12 =	vld [tilespmem:s5+$0x89];
	[tilespmem:s0+$0xC0] =	vst v13  }
0x233: {  	[tilespmem:s0+$0xFFFFFF40] =	vst v8;
	v8 =	vld [tilespmem:s5+$0x1AB]  }
0x234: {  	[tilespmem:s0+$0xFFFFFF80] =	vst v9;
	v9 =	vld [tilespmem:s5+$0x112]  }
0x235: {  	v13 =	vld [tilespmem:s5+$0xFFFFFDDC];
	[tilespmem:s0+$0xFFFFFFC0] =	vst v10  }
0x236: {  	s1 =	sadd.s32 $0x200, s1;
	v10 =	vld [tilespmem:s5+$0xFFFFFE75];
	[tilespmem:s0+$0x0] =	vst v11  }
0x237: {  	s8 =	sadd.s32 $0xFFFFFF00, s1;
	s12 =	sor.u32 $0x50, s1;
	s6 =	sadd.s32 $0xFFFFFE80, s1;
	v11 =	vld [tilespmem:s5+$0xFFFFFEFE];
	[tilespmem:s0+$0x40] =	vst v12  }
0x238: {  	s15 =	sadd.s32 $0xFFFFFF80, s1;
	s14 =	sor.u32 $0x50, s8;
	s13 =	sor.u32 $0x50, s6;
	v12 =	vld [tilespmem:s5+$0xFFFFFF87];
	[tilespmem:s12+$0xE900] =	vst v8  }
0x239: {  	s17 =	sor.u32 $0x60, s8;
	s24 =	sor.u32 $0x50, s15;
	s12 =	sor.u32 $0x60, s6;
	[tilespmem:s0+$0x80] =	vst v9;
	v8 =	vld [tilespmem:s5+$0x1BB]  }
0x23a: {  	s8 =	sor.u32 $0x70, s8;
	s28 =	sor.u32 $0x60, s15;
	s16 =	sor.u32 $0x70, s6;
	[tilespmem:s0+$0xFFFFFF00] =	vst v13;
	v9 =	vld [tilespmem:s5+$0x10]  }
0x23b: {  	s6 =	sor.u32 $0x70, s15;
	v13 =	vld [tilespmem:s5+$0xFFFFFDEC];
	[tilespmem:s13+$0xE900] =	vst v10  }
0x23c: {  	[tilespmem:s0+$0xFFFFFF90] =	vst v11;
	v10 =	vld [tilespmem:s5+$0x99]  }
0x23d: {  	s13 =	sor.u32 $0x60, s1;
	[tilespmem:s14+$0xE900] =	vst v12;
	v11 =	vld [tilespmem:s5+$0x122]  }
0x23e: {  	v12 =	vld [tilespmem:s5+$0xFFFFFE85];
	[tilespmem:s13+$0xE900] =	vst v8  }
0x23f: {  	[tilespmem:s0+$0x10] =	vst v9;
	v8 =	vld [tilespmem:s5+$0x1CB]  }
0x240: {  	[tilespmem:s0+$0xFFFFFF10] =	vst v13;
	v9 =	vld [tilespmem:s5+$0xFFFFFF0E]  }
0x241: {  	v13 =	vld [tilespmem:s5+$0xFFFFFDFC];
	[tilespmem:s24+$0xE900] =	vst v10  }
0x242: {  	v10 =	vld [tilespmem:s5+$0xFFFFFF97];
	[tilespmem:s0+$0x90] =	vst v11  }
0x243: {  	[tilespmem:s12+$0xE900] =	vst v12;
	v11 =	vld [tilespmem:s5+$0x20];
	s12 =	sor.u32 $0x70, s1  }
0x244: {  	v12 =	vld [tilespmem:s5+$0xA9];
	[tilespmem:s12+$0xE900] =	vst v8  }
0x245: {  	[tilespmem:s0+$0xFFFFFFA0] =	vst v9;
	v14 =	vld [tilespmem:s5+$0x132]  }
0x246: {  	[tilespmem:s0+$0xFFFFFF20] =	vst v13;
	v13 =	vld [tilespmem:s5+$0xFFFFFE95]  }
0x247: {  	v15 =	vld [tilespmem:s5+$0xFFFFFE0C];
	[tilespmem:s17+$0xE900] =	vst v10  }
.Ltmp7:
0x248: {  	v8 =	vld [tilespmem:s5+$0xFFFFFF1E];
	[tilespmem:s0+$0x20] =	vst v11;
	(pc) =	sbr.rel @p4 .LBB2_9-.Ltmp7, $4  }
0x249: {  	v9 =	vld [tilespmem:s5+$0xFFFFFFA7];
	[tilespmem:s28+$0xE900] =	vst v12  }
0x24a: {  	v10 =	vld [tilespmem:s5+$0x30];
	[tilespmem:s0+$0xA0] =	vst v14  }
0x24b: {  	[tilespmem:s16+$0xE900] =	vst v13;
	v11 =	vld [tilespmem:s5+$0xB9]  }
0x24c: {  	[tilespmem:s0+$0xFFFFFF30] =	vst v15;
	v12 =	vld [tilespmem:s5+$0x142];
	s5 =	sadd.s32 $0x448, s5  }
.LBB2_10:
0x24d: {  	[tilespmem:s0+$0xFFFFFFB0] =	vst v8  }
0x24e: {  	[tilespmem:s8+$0xE900] =	vst v9  }
0x24f: {  	[tilespmem:s0+$0x30] =	vst v10  }
0x250: {  	s1 =	sadd.s32 @!p2 s30, s10;
	s2 =	simm.s32 @!p2 $0x7A1400;
	[tilespmem:s6+$0xE900] =	vst v11  }
0x251: {  	s5 =	simm.s32 @!p2 $0x2000;
	s29 =	sadd.s32 $0x1, s29;
	[tilespmem:s0+$0xB0] =	vst v12;
	s0 =	simm.s32 @!p2 $0x400  }
0x252: {  	[tilespmem:s5], [sflag:$0x2] =	stream.strided.gather @!p2 [hbm4b:s1+s0], $0x2000, s2, s0, $0x38;
	[tilespmem:$0x10900] =	vst v63  }
0x253: {  	p2 =	sne.s32 s29, $0x7A  }
.Ltmp8:
0x254: {  	_ = 	snop;
	(pc) =	sbr.rel @p2 .LBB2_2-.Ltmp8, $4  }
0x255: {  	_ =	swait.ge @p3 [sflag:s26], $0x2000  }
0x256: {  	[sflag:s26] =	ssyncset.done @p3 $0x0  }
0x257: {  	s31 =	sadd.s32 s31, s11;
	[sflag:s26] =	ssyncadd.s32 @p3 $0xFFFFE000  }
0x258: {  	[hbm4b:s31+s4] =	stream.linear.scatter [tilespmem:s23], [sflag:$0x4], $0x2000, $0x38;
	[tilespmem:$0x10900] =	vst v63  }
.Ltmp9:
0x259: {  	(pc) =	sbr.rel @p1 .LBB2_17-.Ltmp9, $2  }
0x25a: {  	_ =	sdelay $0x2  }
0x25b: {  	s1 =	rddreg [dreg:$0xa]  }
0x25c: {  	s1 =	simm.s32 $0x0;
	s0 =	rddreg [dreg:$0x7]  }
0x25d: {  	s2 =	simm.s32 $0x400;
	s5 =	simm.s32 $0x7A1400;
	s28 =	simm.s32 $0x5  }
0x25e: {  	[tilespmem:s1], [sflag:$0x5] =	stream.strided.gather [hbm4b:s0+s2], $0x2000, s5, s2, $0x38;
	[tilespmem:$0x10900] =	vst v63  }
0x25f: {  	_ =	swait.ge [sflag:s28], $0x2000  }
0x260: {  	[sflag:s28] =	ssyncset.done $0x0  }
0x261: {  	[sflag:s28] =	ssyncadd.s32 $0xFFFFE000  }
0x262: {  	_ =	swait.ge [sflag:s25], $0x2000  }
0x263: {  	[sflag:s25] =	ssyncset.done $0x0  }
0x264: {  	s29 =	simm.s32 $0x200;
	s14 =	simm.s32 $0x7;
	[sflag:s25] =	ssyncadd.s32 $0xFFFFE000  }
0x265: {  	s6 =	simm.s32 $0x1;
	v9 =	vadd.s32 s14, v0;
	v8 =	vld [tilespmem:s29+$0x180]  }
0x266: {  	s12 =	simm.s32 $0x2;
	v11 =	vadd.s32 s6, v0;
	v10 =	vld [tilespmem:s29+$0xFFFFFE80]  }
0x267: {  	s30 =	simm.s32 $0x3;
	v13 =	vadd.s32 s12, v0;
	v12 =	vld [tilespmem:s29+$0xFFFFFF00]  }
0x268: {  	s31 =	simm.s32 $0x4;
	v15 =	vadd.s32 s30, v0;
	v14 =	vld [tilespmem:s29+$0xFFFFFF80]  }
0x269: {  	s8 =	simm.s32 $0x5;
	v17 =	vadd.s32 s31, v0;
	v16 =	vld [tilespmem:s29+$0x0]  }
0x26a: {  	s13 =	simm.s32 $0x6;
	v19 =	vadd.s32 s8, v0;
	v18 =	vld [tilespmem:s29+$0x80];
	[tilespmem:v9+s19+$0x0] =	vst.idx.msk $0xffff, v8  }
0x26b: {  	[tilespmem:v11+s19+$0x0] =	vst.idx.msk $0xffff, v10;
	v10 =	vld [tilespmem:s29+$0x100];
	v11 =	vadd.s32 s13, v0  }
0x26c: {  	[tilespmem:v13+s19+$0x0] =	vst.idx.msk $0xffff, v12;
	v12 =	vld [tilespmem:s29+$0xFFFFFE00];
	v13 =	vadd.s32 s1, v0  }
0x26d: {  	v9 =	vadd.s32 s14, v1;
	[tilespmem:v15+s19+$0x0] =	vst.idx.msk $0xffff, v14;
	v8 =	vld [tilespmem:s29+$0x190]  }
0x26e: {  	v15 =	vadd.s32 s6, v1;
	[tilespmem:v17+s19+$0x0] =	vst.idx.msk $0xffff, v16;
	v14 =	vld [tilespmem:s29+$0xFFFFFE90]  }
0x26f: {  	v17 =	vadd.s32 s12, v1;
	[tilespmem:v19+s19+$0x0] =	vst.idx.msk $0xffff, v18;
	v16 =	vld [tilespmem:s29+$0xFFFFFF10]  }
0x270: {  	v19 =	vadd.s32 s30, v1;
	v18 =	vld [tilespmem:s29+$0xFFFFFF90];
	[tilespmem:v11+s19+$0x0] =	vst.idx.msk $0xffff, v10  }
0x271: {  	[tilespmem:v13+s19+$0x0] =	vst.idx.msk $0xffff, v12;
	v10 =	vld [tilespmem:s29+$0x10];
	v11 =	vadd.s32 s31, v1  }
0x272: {  	v12 =	vld [tilespmem:s29+$0x90];
	v13 =	vadd.s32 s8, v1;
	[tilespmem:v9+s19+$0x0] =	vst.idx.msk $0xffff, v8  }
0x273: {  	[tilespmem:v15+s19+$0x0] =	vst.idx.msk $0xffff, v14;
	v14 =	vld [tilespmem:s29+$0x110];
	v15 =	vadd.s32 s13, v1  }
0x274: {  	v9 =	vadd.s32 s14, v2;
	[tilespmem:v17+s19+$0x0] =	vst.idx.msk $0xffff, v16;
	v8 =	vld [tilespmem:s29+$0x1A0]  }
0x275: {  	v16 =	vld [tilespmem:s29+$0xFFFFFE10];
	v17 =	vadd.s32 s1, v1;
	[tilespmem:v19+s19+$0x0] =	vst.idx.msk $0xffff, v18  }
0x276: {  	v19 =	vadd.s32 s6, v2;
	v18 =	vld [tilespmem:s29+$0xFFFFFEA0];
	[tilespmem:v11+s19+$0x0] =	vst.idx.msk $0xffff, v10  }
0x277: {  	v10 =	vld [tilespmem:s29+$0xFFFFFF20];
	v11 =	vadd.s32 s12, v2;
	[tilespmem:v13+s19+$0x0] =	vst.idx.msk $0xffff, v12  }
0x278: {  	v12 =	vld [tilespmem:s29+$0xFFFFFFA0];
	v13 =	vadd.s32 s30, v2;
	[tilespmem:v15+s19+$0x0] =	vst.idx.msk $0xffff, v14  }
0x279: {  	v14 =	vld [tilespmem:s29+$0x20];
	v15 =	vadd.s32 s31, v2;
	[tilespmem:v9+s19+$0x0] =	vst.idx.msk $0xffff, v8  }
0x27a: {  	[tilespmem:v17+s19+$0x0] =	vst.idx.msk $0xffff, v16;
	v9 =	vadd.s32 s14, v3;
	v8 =	vld [tilespmem:s29+$0x1B0]  }
0x27b: {  	v16 =	vld [tilespmem:s29+$0xA0];
	v17 =	vadd.s32 s8, v2;
	[tilespmem:v19+s19+$0x0] =	vst.idx.msk $0xffff, v18  }
0x27c: {  	v18 =	vld [tilespmem:s29+$0x120];
	v19 =	vadd.s32 s13, v2;
	[tilespmem:v11+s19+$0x0] =	vst.idx.msk $0xffff, v10  }
0x27d: {  	v10 =	vld [tilespmem:s29+$0xFFFFFE20];
	v11 =	vadd.s32 s1, v2;
	[tilespmem:v13+s19+$0x0] =	vst.idx.msk $0xffff, v12  }
0x27e: {  	v12 =	vld [tilespmem:s29+$0xFFFFFEB0];
	v13 =	vadd.s32 s6, v3;
	[tilespmem:v15+s19+$0x0] =	vst.idx.msk $0xffff, v14  }
0x27f: {  	v14 =	vld [tilespmem:s29+$0xFFFFFF30];
	v15 =	vadd.s32 s12, v3;
	[tilespmem:v9+s19+$0x0] =	vst.idx.msk $0xffff, v8  }
0x280: {  	[tilespmem:v17+s19+$0x0] =	vst.idx.msk $0xffff, v16;
	v9 =	vadd.s32 s14, v4;
	v8 =	vld [tilespmem:s29+$0x1C0]  }
0x281: {  	v16 =	vld [tilespmem:s29+$0xFFFFFFB0];
	v17 =	vadd.s32 s30, v3;
	[tilespmem:v19+s19+$0x0] =	vst.idx.msk $0xffff, v18  }
0x282: {  	v18 =	vld [tilespmem:s29+$0x30];
	v19 =	vadd.s32 s31, v3;
	[tilespmem:v11+s19+$0x0] =	vst.idx.msk $0xffff, v10  }
0x283: {  	[tilespmem:v13+s19+$0x0] =	vst.idx.msk $0xffff, v12;
	v10 =	vld [tilespmem:s29+$0xB0];
	v11 =	vadd.s32 s8, v3  }
0x284: {  	v12 =	vld [tilespmem:s29+$0x130];
	v13 =	vadd.s32 s13, v3;
	[tilespmem:v15+s19+$0x0] =	vst.idx.msk $0xffff, v14  }
0x285: {  	v14 =	vld [tilespmem:s29+$0xFFFFFE30];
	v15 =	vadd.s32 s1, v3;
	[tilespmem:v9+s19+$0x0] =	vst.idx.msk $0xffff, v8  }
0x286: {  	[tilespmem:v17+s19+$0x0] =	vst.idx.msk $0xffff, v16;
	v9 =	vadd.s32 s14, v5;
	v8 =	vld [tilespmem:s29+$0x1D0]  }
0x287: {  	v16 =	vld [tilespmem:s29+$0xFFFFFEC0];
	v17 =	vadd.s32 s6, v4;
	[tilespmem:v19+s19+$0x0] =	vst.idx.msk $0xffff, v18  }
0x288: {  	v18 =	vld [tilespmem:s29+$0xFFFFFF40];
	v19 =	vadd.s32 s12, v4;
	[tilespmem:v11+s19+$0x0] =	vst.idx.msk $0xffff, v10  }
0x289: {  	v10 =	vld [tilespmem:s29+$0xFFFFFFC0];
	v11 =	vadd.s32 s30, v4;
	[tilespmem:v13+s19+$0x0] =	vst.idx.msk $0xffff, v12  }
0x28a: {  	v12 =	vld [tilespmem:s29+$0x40];
	v13 =	vadd.s32 s31, v4;
	[tilespmem:v15+s19+$0x0] =	vst.idx.msk $0xffff, v14  }
0x28b: {  	v14 =	vld [tilespmem:s29+$0xC0];
	v15 =	vadd.s32 s8, v4;
	[tilespmem:v9+s19+$0x0] =	vst.idx.msk $0xffff, v8  }
0x28c: {  	[tilespmem:v17+s19+$0x0] =	vst.idx.msk $0xffff, v16;
	v9 =	vadd.s32 s14, v6;
	v8 =	vld [tilespmem:s29+$0x1E0]  }
0x28d: {  	v16 =	vld [tilespmem:s29+$0x140];
	v17 =	vadd.s32 s13, v4;
	[tilespmem:v19+s19+$0x0] =	vst.idx.msk $0xffff, v18  }
0x28e: {  	v18 =	vld [tilespmem:s29+$0xFFFFFE40];
	v19 =	vadd.s32 s1, v4;
	[tilespmem:v11+s19+$0x0] =	vst.idx.msk $0xffff, v10  }
0x28f: {  	v10 =	vld [tilespmem:s29+$0xFFFFFED0];
	v11 =	vadd.s32 s6, v5;
	[tilespmem:v13+s19+$0x0] =	vst.idx.msk $0xffff, v12  }
0x290: {  	v12 =	vld [tilespmem:s29+$0xFFFFFF50];
	v13 =	vadd.s32 s12, v5;
	[tilespmem:v15+s19+$0x0] =	vst.idx.msk $0xffff, v14  }
0x291: {  	v14 =	vld [tilespmem:s29+$0xFFFFFFD0];
	v15 =	vadd.s32 s30, v5;
	[tilespmem:v9+s19+$0x0] =	vst.idx.msk $0xffff, v8  }
0x292: {  	[tilespmem:v17+s19+$0x0] =	vst.idx.msk $0xffff, v16;
	v9 =	vadd.s32 s14, v7;
	v8 =	vld [tilespmem:s29+$0x1F0]  }
0x293: {  	v16 =	vld [tilespmem:s29+$0x50];
	v17 =	vadd.s32 s31, v5;
	[tilespmem:v19+s19+$0x0] =	vst.idx.msk $0xffff, v18  }
0x294: {  	v18 =	vld [tilespmem:s29+$0xD0];
	v19 =	vadd.s32 s8, v5;
	[tilespmem:v11+s19+$0x0] =	vst.idx.msk $0xffff, v10  }
0x295: {  	v10 =	vld [tilespmem:s29+$0xFFFFFE50];
	v11 =	vadd.s32 s1, v5;
	[tilespmem:v13+s19+$0x0] =	vst.idx.msk $0xffff, v12  }
0x296: {  	v13 =	vadd.s32 s6, v6;
	v12 =	vld [tilespmem:s29+$0xFFFFFEE0];
	[tilespmem:v15+s19+$0x0] =	vst.idx.msk $0xffff, v14  }
0x297: {  	[tilespmem:v9+s19+$0x0] =	vst.idx.msk $0xffff, v8;
	v8 =	vld [tilespmem:s29+$0x150];
	v9 =	vadd.s32 s13, v5  }
0x298: {  	v14 =	vld [tilespmem:s29+$0xFFFFFF60];
	v15 =	vadd.s32 s12, v6;
	[tilespmem:v17+s19+$0x0] =	vst.idx.msk $0xffff, v16  }
0x299: {  	v17 =	vadd.s32 s30, v6;
	v16 =	vld [tilespmem:s29+$0xFFFFFFE0];
	[tilespmem:v19+s19+$0x0] =	vst.idx.msk $0xffff, v18  }
0x29a: {  	v18 =	vld [tilespmem:s29+$0x60];
	v19 =	vadd.s32 s31, v6;
	[tilespmem:v11+s19+$0x0] =	vst.idx.msk $0xffff, v10  }
0x29b: {  	v20 =	vadd.s32 s1, v6;
	[tilespmem:v13+s19+$0x0] =	vst.idx.msk $0xffff, v12;
	v13 =	vld [tilespmem:s29+$0xFFFFFE60]  }
0x29c: {  	[tilespmem:v9+s19+$0x0] =	vst.idx.msk $0xffff, v8;
	v8 =	vld [tilespmem:s29+$0xE0];
	v9 =	vadd.s32 s8, v6  }
0x29d: {  	v12 =	vadd.s32 s13, v6;
	[tilespmem:v15+s19+$0x0] =	vst.idx.msk $0xffff, v14;
	v10 =	vld [tilespmem:s29+$0x160]  }
0x29e: {  	v22 =	vadd.s32 s6, v7;
	v21 =	vld [tilespmem:s29+$0xFFFFFEF0];
	[tilespmem:v17+s19+$0x0] =	vst.idx.msk $0xffff, v16  }
0x29f: {  	v24 =	vadd.s32 s12, v7;
	v23 =	vld [tilespmem:s29+$0xFFFFFF70];
	[tilespmem:v19+s19+$0x0] =	vst.idx.msk $0xffff, v18  }
0x2a0: {  	v17 =	vadd.s32 s30, v7;
	v15 =	vld [tilespmem:s29+$0xFFFFFFF0];
	[tilespmem:v20+s19+$0x0] =	vst.idx.msk $0xffff, v13  }
0x2a1: {  	v16 =	vadd.s32 s31, v7;
	v11 =	vld [tilespmem:s29+$0x70];
	[tilespmem:v9+s19+$0x0] =	vst.idx.msk $0xffff, v8  }
0x2a2: {  	v14 =	vadd.s32 s8, v7;
	[tilespmem:v12+s19+$0x0] =	vst.idx.msk $0xffff, v10;
	v8 =	vld [tilespmem:s29+$0xF0]  }
0x2a3: {  	s17 =	simm.s32 $0x10;
	[tilespmem:v22+s19+$0x0] =	vst.idx.msk $0xffff, v21;
	v12 =	vadd.s32 s13, v7;
	v9 =	vld [tilespmem:s29+$0x170]  }
0x2a4: {  	s0 =	simm.s32 $0x8;
	s2 =	simm.s32 $0xF;
	v13 =	vadd.s32 s1, v7;
	s1 =	simm.s32 $0x600;
	[tilespmem:v24+s19+$0x0] =	vst.idx.msk $0xffff, v23;
	v10 =	vld [tilespmem:s29+$0xFFFFFE70]  }
.LBB2_13:
0x2a5: {  	p2 =	slt.u32 s17, $0x38;
	s13 =	sadd.s32 $0x1, s0;
	v18 =	vld [tilespmem:s1+$0x180];
	v19 =	vadd.s32 s2, v0;
	[tilespmem:v17+s19+$0x0] =	vst.idx.msk $0xffff, v15;
	s12 =	smov.u32 s0  }
0x2a6: {  	s0 =	smov.u32 s17;
	v15 =	vld [tilespmem:s1+$0xFFFFFE80];
	v17 =	vadd.s32 s13, v0;
	s24 =	sadd.s32 $0x2, s12;
	[tilespmem:v16+s19+$0x0] =	vst.idx.msk $0xffff, v11  }
0x2a7: {  	s6 =	sadd.s32 $0x3, s12;
	v11 =	vld [tilespmem:s1+$0xFFFFFF00];
	v16 =	vadd.s32 s24, v0;
	[tilespmem:v14+s19+$0x0] =	vst.idx.msk $0xffff, v8  }
0x2a8: {  	s8 =	sadd.s32 $0x4, s12;
	v14 =	vadd.s32 s6, v0;
	v8 =	vld [tilespmem:s1+$0xFFFFFF80];
	[tilespmem:v12+s19+$0x0] =	vst.idx.msk $0xffff, v9  }
0x2a9: {  	s14 =	sadd.s32 $0x5, s12;
	v12 =	vadd.s32 s8, v0;
	v9 =	vld [tilespmem:s1+$0x0];
	[tilespmem:v13+s19+$0x0] =	vst.idx.msk $0xffff, v10  }
0x2aa: {  	v13 =	vadd.s32 s14, v0;
	v10 =	vld [tilespmem:s1+$0x80];
	[tilespmem:v19+s19+$0x0] =	vst.idx.msk $0xffff, v18  }
0x2ab: {  	s5 =	sadd.s32 $0x6, s12;
	[tilespmem:v17+s19+$0x0] =	vst.idx.msk $0xffff, v15;
	v15 =	vld [tilespmem:s1+$0x190];
	v17 =	vadd.s32 s2, v1  }
0x2ac: {  	[tilespmem:v16+s19+$0x0] =	vst.idx.msk $0xffff, v11;
	v11 =	vld [tilespmem:s1+$0x100];
	v16 =	vadd.s32 s5, v0  }
0x2ad: {  	v19 =	vadd.s32 s12, v0;
	v18 =	vld [tilespmem:s1+$0xFFFFFE00];
	[tilespmem:v14+s19+$0x0] =	vst.idx.msk $0xffff, v8  }
0x2ae: {  	v14 =	vadd.s32 s13, v1;
	v8 =	vld [tilespmem:s1+$0xFFFFFE90];
	[tilespmem:v12+s19+$0x0] =	vst.idx.msk $0xffff, v9  }
0x2af: {  	v12 =	vadd.s32 s24, v1;
	v9 =	vld [tilespmem:s1+$0xFFFFFF10];
	[tilespmem:v13+s19+$0x0] =	vst.idx.msk $0xffff, v10  }
0x2b0: {  	v13 =	vadd.s32 s6, v1;
	v10 =	vld [tilespmem:s1+$0xFFFFFF90];
	[tilespmem:v17+s19+$0x0] =	vst.idx.msk $0xffff, v15  }
0x2b1: {  	v15 =	vadd.s32 s2, v2;
	[tilespmem:v16+s19+$0x0] =	vst.idx.msk $0xffff, v11;
	v11 =	vld [tilespmem:s1+$0x1A0]  }
0x2b2: {  	v17 =	vadd.s32 s8, v1;
	[tilespmem:v19+s19+$0x0] =	vst.idx.msk $0xffff, v18;
	v16 =	vld [tilespmem:s1+$0x10]  }
0x2b3: {  	[tilespmem:v14+s19+$0x0] =	vst.idx.msk $0xffff, v8;
	v8 =	vld [tilespmem:s1+$0x90];
	v14 =	vadd.s32 s14, v1  }
0x2b4: {  	[tilespmem:v12+s19+$0x0] =	vst.idx.msk $0xffff, v9;
	v9 =	vld [tilespmem:s1+$0x110];
	v12 =	vadd.s32 s5, v1  }
0x2b5: {  	v19 =	vadd.s32 s12, v1;
	v18 =	vld [tilespmem:s1+$0xFFFFFE10];
	[tilespmem:v13+s19+$0x0] =	vst.idx.msk $0xffff, v10  }
0x2b6: {  	v13 =	vadd.s32 s13, v2;
	v10 =	vld [tilespmem:s1+$0xFFFFFEA0];
	[tilespmem:v15+s19+$0x0] =	vst.idx.msk $0xffff, v11  }
0x2b7: {  	v15 =	vadd.s32 s2, v3;
	[tilespmem:v17+s19+$0x0] =	vst.idx.msk $0xffff, v16;
	v11 =	vld [tilespmem:s1+$0x1B0]  }
0x2b8: {  	v17 =	vadd.s32 s24, v2;
	v16 =	vld [tilespmem:s1+$0xFFFFFF20];
	[tilespmem:v14+s19+$0x0] =	vst.idx.msk $0xffff, v8  }
0x2b9: {  	v14 =	vadd.s32 s6, v2;
	v8 =	vld [tilespmem:s1+$0xFFFFFFA0];
	[tilespmem:v12+s19+$0x0] =	vst.idx.msk $0xffff, v9  }
0x2ba: {  	v12 =	vadd.s32 s8, v2;
	[tilespmem:v19+s19+$0x0] =	vst.idx.msk $0xffff, v18;
	v9 =	vld [tilespmem:s1+$0x20]  }
0x2bb: {  	[tilespmem:v13+s19+$0x0] =	vst.idx.msk $0xffff, v10;
	v10 =	vld [tilespmem:s1+$0xA0];
	v13 =	vadd.s32 s14, v2  }
0x2bc: {  	v19 =	vadd.s32 s5, v2;
	v18 =	vld [tilespmem:s1+$0x120];
	[tilespmem:v15+s19+$0x0] =	vst.idx.msk $0xffff, v11  }
0x2bd: {  	v15 =	vadd.s32 s2, v4;
	[tilespmem:v17+s19+$0x0] =	vst.idx.msk $0xffff, v16;
	v11 =	vld [tilespmem:s1+$0x1C0]  }
0x2be: {  	v17 =	vadd.s32 s12, v2;
	v16 =	vld [tilespmem:s1+$0xFFFFFE20];
	[tilespmem:v14+s19+$0x0] =	vst.idx.msk $0xffff, v8  }
0x2bf: {  	v14 =	vadd.s32 s13, v3;
	v8 =	vld [tilespmem:s1+$0xFFFFFEB0];
	[tilespmem:v12+s19+$0x0] =	vst.idx.msk $0xffff, v9  }
0x2c0: {  	v12 =	vadd.s32 s24, v3;
	v9 =	vld [tilespmem:s1+$0xFFFFFF30];
	[tilespmem:v13+s19+$0x0] =	vst.idx.msk $0xffff, v10  }
0x2c1: {  	v13 =	vadd.s32 s6, v3;
	v10 =	vld [tilespmem:s1+$0xFFFFFFB0];
	[tilespmem:v19+s19+$0x0] =	vst.idx.msk $0xffff, v18  }
0x2c2: {  	v19 =	vadd.s32 s8, v3;
	v18 =	vld [tilespmem:s1+$0x30];
	[tilespmem:v15+s19+$0x0] =	vst.idx.msk $0xffff, v11  }
0x2c3: {  	v15 =	vadd.s32 s2, v5;
	[tilespmem:v17+s19+$0x0] =	vst.idx.msk $0xffff, v16;
	v11 =	vld [tilespmem:s1+$0x1D0]  }
0x2c4: {  	[tilespmem:v14+s19+$0x0] =	vst.idx.msk $0xffff, v8;
	v8 =	vld [tilespmem:s1+$0xB0];
	v14 =	vadd.s32 s14, v3  }
0x2c5: {  	[tilespmem:v12+s19+$0x0] =	vst.idx.msk $0xffff, v9;
	v9 =	vld [tilespmem:s1+$0x130];
	v12 =	vadd.s32 s5, v3  }
0x2c6: {  	v17 =	vadd.s32 s12, v3;
	v16 =	vld [tilespmem:s1+$0xFFFFFE30];
	[tilespmem:v13+s19+$0x0] =	vst.idx.msk $0xffff, v10  }
0x2c7: {  	v13 =	vadd.s32 s13, v4;
	v10 =	vld [tilespmem:s1+$0xFFFFFEC0];
	[tilespmem:v19+s19+$0x0] =	vst.idx.msk $0xffff, v18  }
0x2c8: {  	v19 =	vadd.s32 s24, v4;
	v18 =	vld [tilespmem:s1+$0xFFFFFF40];
	[tilespmem:v15+s19+$0x0] =	vst.idx.msk $0xffff, v11  }
0x2c9: {  	v11 =	vadd.s32 s2, v6;
	[tilespmem:v14+s19+$0x0] =	vst.idx.msk $0xffff, v8;
	v8 =	vld [tilespmem:s1+$0x1E0]  }
0x2ca: {  	v15 =	vadd.s32 s6, v4;
	v14 =	vld [tilespmem:s1+$0xFFFFFFC0];
	[tilespmem:v12+s19+$0x0] =	vst.idx.msk $0xffff, v9  }
0x2cb: {  	v12 =	vadd.s32 s8, v4;
	[tilespmem:v17+s19+$0x0] =	vst.idx.msk $0xffff, v16;
	v9 =	vld [tilespmem:s1+$0x40]  }
0x2cc: {  	[tilespmem:v13+s19+$0x0] =	vst.idx.msk $0xffff, v10;
	v10 =	vld [tilespmem:s1+$0xC0];
	v13 =	vadd.s32 s14, v4  }
0x2cd: {  	v17 =	vadd.s32 s5, v4;
	[tilespmem:v19+s19+$0x0] =	vst.idx.msk $0xffff, v18;
	v16 =	vld [tilespmem:s1+$0x140]  }
0x2ce: {  	v19 =	vadd.s32 s12, v4;
	v18 =	vld [tilespmem:s1+$0xFFFFFE40];
	[tilespmem:v11+s19+$0x0] =	vst.idx.msk $0xffff, v8  }
0x2cf: {  	v11 =	vadd.s32 s2, v7;
	[tilespmem:v15+s19+$0x0] =	vst.idx.msk $0xffff, v14;
	v8 =	vld [tilespmem:s1+$0x1F0]  }
0x2d0: {  	v15 =	vadd.s32 s13, v5;
	v14 =	vld [tilespmem:s1+$0xFFFFFED0];
	[tilespmem:v12+s19+$0x0] =	vst.idx.msk $0xffff, v9  }
0x2d1: {  	v12 =	vadd.s32 s24, v5;
	v9 =	vld [tilespmem:s1+$0xFFFFFF50];
	[tilespmem:v13+s19+$0x0] =	vst.idx.msk $0xffff, v10  }
0x2d2: {  	v13 =	vadd.s32 s6, v5;
	v10 =	vld [tilespmem:s1+$0xFFFFFFD0];
	[tilespmem:v17+s19+$0x0] =	vst.idx.msk $0xffff, v16  }
0x2d3: {  	v17 =	vadd.s32 s8, v5;
	[tilespmem:v19+s19+$0x0] =	vst.idx.msk $0xffff, v18;
	v16 =	vld [tilespmem:s1+$0x50]  }
0x2d4: {  	v19 =	vadd.s32 s14, v5;
	v18 =	vld [tilespmem:s1+$0xD0];
	[tilespmem:v11+s19+$0x0] =	vst.idx.msk $0xffff, v8  }
0x2d5: {  	v11 =	vadd.s32 s5, v5;
	[tilespmem:v15+s19+$0x0] =	vst.idx.msk $0xffff, v14;
	v8 =	vld [tilespmem:s1+$0x150]  }
0x2d6: {  	v15 =	vadd.s32 s12, v5;
	v14 =	vld [tilespmem:s1+$0xFFFFFE50];
	[tilespmem:v12+s19+$0x0] =	vst.idx.msk $0xffff, v9  }
0x2d7: {  	v12 =	vadd.s32 s13, v6;
	v9 =	vld [tilespmem:s1+$0xFFFFFEE0];
	[tilespmem:v13+s19+$0x0] =	vst.idx.msk $0xffff, v10  }
0x2d8: {  	v13 =	vadd.s32 s24, v6;
	v10 =	vld [tilespmem:s1+$0xFFFFFF60];
	[tilespmem:v17+s19+$0x0] =	vst.idx.msk $0xffff, v16  }
0x2d9: {  	v17 =	vadd.s32 s6, v6;
	v16 =	vld [tilespmem:s1+$0xFFFFFFE0];
	[tilespmem:v19+s19+$0x0] =	vst.idx.msk $0xffff, v18  }
0x2da: {  	v19 =	vadd.s32 s8, v6;
	v18 =	vld [tilespmem:s1+$0x60];
	[tilespmem:v11+s19+$0x0] =	vst.idx.msk $0xffff, v8  }
0x2db: {  	v11 =	vadd.s32 s14, v6;
	[tilespmem:v15+s19+$0x0] =	vst.idx.msk $0xffff, v14;
	v8 =	vld [tilespmem:s1+$0xE0]  }
0x2dc: {  	[tilespmem:v12+s19+$0x0] =	vst.idx.msk $0xffff, v9;
	v9 =	vld [tilespmem:s1+$0x160];
	v12 =	vadd.s32 s5, v6  }
0x2dd: {  	v20 =	vadd.s32 s12, v6;
	v14 =	vld [tilespmem:s1+$0xFFFFFE60];
	[tilespmem:v13+s19+$0x0] =	vst.idx.msk $0xffff, v10  }
0x2de: {  	v13 =	vadd.s32 s13, v7;
	v10 =	vld [tilespmem:s1+$0xFFFFFEF0];
	[tilespmem:v17+s19+$0x0] =	vst.idx.msk $0xffff, v16  }
0x2df: {  	v22 =	vadd.s32 s24, v7;
	v21 =	vld [tilespmem:s1+$0xFFFFFF70];
	[tilespmem:v19+s19+$0x0] =	vst.idx.msk $0xffff, v18  }
.Ltmp10:
0x2e0: {  	v17 =	vadd.s32 s6, v7;
	v15 =	vld [tilespmem:s1+$0xFFFFFFF0];
	[tilespmem:v11+s19+$0x0] =	vst.idx.msk $0xffff, v8;
	(pc) =	sbr.rel @p2 .LBB2_13-.Ltmp10, $4  }
0x2e1: {  	v16 =	vadd.s32 s8, v7;
	v11 =	vld [tilespmem:s1+$0x70];
	[tilespmem:v12+s19+$0x0] =	vst.idx.msk $0xffff, v9  }
0x2e2: {  	[tilespmem:v20+s19+$0x0] =	vst.idx.msk $0xffff, v14;
	v8 =	vld [tilespmem:s1+$0xF0];
	v14 =	vadd.s32 s14, v7  }
0x2e3: {  	v12 =	vadd.s32 s5, v7;
	[tilespmem:v13+s19+$0x0] =	vst.idx.msk $0xffff, v10;
	v9 =	vld [tilespmem:s1+$0x170]  }
0x2e4: {  	s17 =	sadd.s32 $0x8, s17;
	s2 =	sadd.s32 $0x7, s0;
	v13 =	vadd.s32 s12, v7;
	v10 =	vld [tilespmem:s1+$0xFFFFFE70];
	[tilespmem:v22+s19+$0x0] =	vst.idx.msk $0xffff, v21;
	s1 =	sadd.s32 $0x400, s1  }
0x2e5: {  	_ =	sdelay $0x3  }
0x2e6: {  	v18 =	vld [tilespmem:s1+$0x180];
	v19 =	vadd.s32 s2, v0;
	[tilespmem:v17+s19+$0x0] =	vst.idx.msk $0xffff, v15  }
0x2e7: {  	s5 =	sadd.s32 $0x1, s0;
	v32 =	vld [tilespmem:s1+$0xFFFFFE00];
	v33 =	vadd.s32 s0, v0;
	[tilespmem:v16+s19+$0x0] =	vst.idx.msk $0xffff, v11  }
0x2e8: {  	v15 =	vld [tilespmem:s1+$0xFFFFFE80];
	s6 =	sadd.s32 $0x2, s0;
	v28 =	vadd.s32 s5, v0;
	[tilespmem:v14+s19+$0x0] =	vst.idx.msk $0xffff, v8  }
0x2e9: {  	s8 =	sadd.s32 $0x3, s0;
	v11 =	vld [tilespmem:s1+$0xFFFFFF00];
	v29 =	vadd.s32 s6, v0;
	[tilespmem:v12+s19+$0x0] =	vst.idx.msk $0xffff, v9  }
0x2ea: {  	s12 =	sadd.s32 $0x4, s0;
	v8 =	vld [tilespmem:s1+$0xFFFFFF80];
	v14 =	vadd.s32 s8, v0;
	[tilespmem:v13+s19+$0x0] =	vst.idx.msk $0xffff, v10  }
0x2eb: {  	s13 =	sadd.s32 $0x5, s0;
	v9 =	vld [tilespmem:s1+$0x0];
	v12 =	vadd.s32 s12, v0;
	[tilespmem:v19+s19+$0x0] =	vst.idx.msk $0xffff, v18  }
0x2ec: {  	v10 =	vld [tilespmem:s1+$0x80];
	v13 =	vadd.s32 s13, v0;
	[tilespmem:v33+s19+$0x0] =	vst.idx.msk $0xffff, v32  }
0x2ed: {  	s14 =	sadd.s32 $0x6, s0;
	v30 =	vadd.s32 s2, v1;
	[tilespmem:v28+s19+$0x0] =	vst.idx.msk $0xffff, v15;
	v15 =	vld [tilespmem:s1+$0x190]  }
0x2ee: {  	v31 =	vadd.s32 s14, v0;
	[tilespmem:v29+s19+$0x0] =	vst.idx.msk $0xffff, v11;
	v11 =	vld [tilespmem:s1+$0x100]  }
0x2ef: {  	[tilespmem:v14+s19+$0x0] =	vst.idx.msk $0xffff, v8;
	v8 =	vld [tilespmem:s1+$0xFFFFFE90];
	v14 =	vadd.s32 s5, v1  }
0x2f0: {  	v36 =	vadd.s32 s0, v1;
	v18 =	vld [tilespmem:s1+$0xFFFFFE10];
	[tilespmem:v12+s19+$0x0] =	vst.idx.msk $0xffff, v9  }
0x2f1: {  	v9 =	vld [tilespmem:s1+$0xFFFFFF10];
	v12 =	vadd.s32 s6, v1;
	[tilespmem:v13+s19+$0x0] =	vst.idx.msk $0xffff, v10  }
0x2f2: {  	v10 =	vld [tilespmem:s1+$0xFFFFFF90];
	v13 =	vadd.s32 s8, v1;
	[tilespmem:v30+s19+$0x0] =	vst.idx.msk $0xffff, v15  }
0x2f3: {  	[tilespmem:v31+s19+$0x0] =	vst.idx.msk $0xffff, v11;
	v15 =	vadd.s32 s2, v2;
	v11 =	vld [tilespmem:s1+$0x1A0]  }
0x2f4: {  	[tilespmem:v14+s19+$0x0] =	vst.idx.msk $0xffff, v8;
	v8 =	vld [tilespmem:s1+$0x90];
	v14 =	vadd.s32 s13, v1  }
0x2f5: {  	v35 =	vadd.s32 s12, v1;
	v34 =	vld [tilespmem:s1+$0x10];
	[tilespmem:v36+s19+$0x0] =	vst.idx.msk $0xffff, v18  }
0x2f6: {  	[tilespmem:v12+s19+$0x0] =	vst.idx.msk $0xffff, v9;
	v9 =	vld [tilespmem:s1+$0x110];
	v12 =	vadd.s32 s14, v1  }
0x2f7: {  	[tilespmem:v13+s19+$0x0] =	vst.idx.msk $0xffff, v10;
	v10 =	vld [tilespmem:s1+$0xFFFFFEA0];
	v13 =	vadd.s32 s5, v2  }
0x2f8: {  	v38 =	vadd.s32 s6, v2;
	v37 =	vld [tilespmem:s1+$0xFFFFFF20];
	[tilespmem:v15+s19+$0x0] =	vst.idx.msk $0xffff, v11  }
0x2f9: {  	[tilespmem:v14+s19+$0x0] =	vst.idx.msk $0xffff, v8;
	v8 =	vld [tilespmem:s1+$0xFFFFFFA0];
	v14 =	vadd.s32 s8, v2  }
0x2fa: {  	[tilespmem:v35+s19+$0x0] =	vst.idx.msk $0xffff, v34;
	v15 =	vadd.s32 s2, v3;
	v11 =	vld [tilespmem:s1+$0x1B0]  }
0x2fb: {  	[tilespmem:v12+s19+$0x0] =	vst.idx.msk $0xffff, v9;
	v9 =	vld [tilespmem:s1+$0x20];
	v12 =	vadd.s32 s12, v2  }
0x2fc: {  	v42 =	vadd.s32 s0, v2;
	v41 =	vld [tilespmem:s1+$0xFFFFFE20];
	[tilespmem:v13+s19+$0x0] =	vst.idx.msk $0xffff, v10  }
0x2fd: {  	v10 =	vld [tilespmem:s1+$0xA0];
	v13 =	vadd.s32 s13, v2;
	[tilespmem:v38+s19+$0x0] =	vst.idx.msk $0xffff, v37  }
0x2fe: {  	v40 =	vadd.s32 s14, v2;
	v39 =	vld [tilespmem:s1+$0x120];
	[tilespmem:v14+s19+$0x0] =	vst.idx.msk $0xffff, v8  }
0x2ff: {  	v8 =	vld [tilespmem:s1+$0xFFFFFEB0];
	v14 =	vadd.s32 s5, v3;
	[tilespmem:v15+s19+$0x0] =	vst.idx.msk $0xffff, v11  }
0x300: {  	[tilespmem:v12+s19+$0x0] =	vst.idx.msk $0xffff, v9;
	v9 =	vld [tilespmem:s1+$0xFFFFFF30];
	v12 =	vadd.s32 s6, v3  }
0x301: {  	[tilespmem:v42+s19+$0x0] =	vst.idx.msk $0xffff, v41;
	v15 =	vadd.s32 s2, v4;
	v11 =	vld [tilespmem:s1+$0x1C0]  }
0x302: {  	v45 =	vadd.s32 s0, v3;
	v16 =	vld [tilespmem:s1+$0xFFFFFE30];
	[tilespmem:v13+s19+$0x0] =	vst.idx.msk $0xffff, v10  }
0x303: {  	v10 =	vld [tilespmem:s1+$0xFFFFFFB0];
	v13 =	vadd.s32 s8, v3;
	[tilespmem:v40+s19+$0x0] =	vst.idx.msk $0xffff, v39  }
0x304: {  	v44 =	vadd.s32 s12, v3;
	v43 =	vld [tilespmem:s1+$0x30];
	[tilespmem:v14+s19+$0x0] =	vst.idx.msk $0xffff, v8  }
0x305: {  	v8 =	vld [tilespmem:s1+$0xB0];
	v14 =	vadd.s32 s13, v3;
	[tilespmem:v12+s19+$0x0] =	vst.idx.msk $0xffff, v9  }
0x306: {  	v9 =	vld [tilespmem:s1+$0x130];
	v12 =	vadd.s32 s14, v3;
	[tilespmem:v15+s19+$0x0] =	vst.idx.msk $0xffff, v11  }
0x307: {  	[tilespmem:v45+s19+$0x0] =	vst.idx.msk $0xffff, v16;
	v15 =	vadd.s32 s2, v5;
	v11 =	vld [tilespmem:s1+$0x1D0]  }
0x308: {  	v51 =	vadd.s32 s0, v4;
	v50 =	vld [tilespmem:s1+$0xFFFFFE40];
	[tilespmem:v13+s19+$0x0] =	vst.idx.msk $0xffff, v10  }
0x309: {  	v10 =	vld [tilespmem:s1+$0xFFFFFEC0];
	v13 =	vadd.s32 s5, v4;
	[tilespmem:v44+s19+$0x0] =	vst.idx.msk $0xffff, v43  }
0x30a: {  	v47 =	vadd.s32 s6, v4;
	v46 =	vld [tilespmem:s1+$0xFFFFFF40];
	[tilespmem:v14+s19+$0x0] =	vst.idx.msk $0xffff, v8  }
0x30b: {  	[tilespmem:v12+s19+$0x0] =	vst.idx.msk $0xffff, v9;
	v9 =	vld [tilespmem:s1+$0x40];
	v12 =	vadd.s32 s12, v4  }
0x30c: {  	v14 =	vld [tilespmem:s1+$0xFFFFFFC0];
	[tilespmem:v15+s19+$0x0] =	vst.idx.msk $0xffff, v11;
	v15 =	vadd.s32 s8, v4  }
0x30d: {  	[tilespmem:v51+s19+$0x0] =	vst.idx.msk $0xffff, v50;
	v11 =	vadd.s32 s2, v6;
	v8 =	vld [tilespmem:s1+$0x1E0]  }
0x30e: {  	[tilespmem:v13+s19+$0x0] =	vst.idx.msk $0xffff, v10;
	v10 =	vld [tilespmem:s1+$0xC0];
	v13 =	vadd.s32 s13, v4  }
0x30f: {  	v49 =	vadd.s32 s14, v4;
	[tilespmem:v47+s19+$0x0] =	vst.idx.msk $0xffff, v46;
	v48 =	vld [tilespmem:s1+$0x140]  }
0x310: {  	[tilespmem:v12+s19+$0x0] =	vst.idx.msk $0xffff, v9;
	v9 =	vld [tilespmem:s1+$0xFFFFFF50];
	v12 =	vadd.s32 s6, v5  }
0x311: {  	[tilespmem:v15+s19+$0x0] =	vst.idx.msk $0xffff, v14;
	v14 =	vld [tilespmem:s1+$0xFFFFFED0];
	v15 =	vadd.s32 s5, v5  }
0x312: {  	v53 =	vadd.s32 s12, v5;
	v52 =	vld [tilespmem:s1+$0x50];
	[tilespmem:v11+s19+$0x0] =	vst.idx.msk $0xffff, v8  }
0x313: {  	[tilespmem:v13+s19+$0x0] =	vst.idx.msk $0xffff, v10;
	v11 =	vadd.s32 s2, v7;
	v8 =	vld [tilespmem:s1+$0x1F0]  }
0x314: {  	v13 =	vadd.s32 s8, v5;
	[tilespmem:v49+s19+$0x0] =	vst.idx.msk $0xffff, v48;
	v10 =	vld [tilespmem:s1+$0xFFFFFFD0]  }
0x315: {  	v55 =	vadd.s32 s13, v5;
	v54 =	vld [tilespmem:s1+$0xD0];
	[tilespmem:v12+s19+$0x0] =	vst.idx.msk $0xffff, v9  }
0x316: {  	[tilespmem:v15+s19+$0x0] =	vst.idx.msk $0xffff, v14;
	v14 =	vld [tilespmem:s1+$0xFFFFFE50];
	v15 =	vadd.s32 s0, v5  }
0x317: {  	v12 =	vadd.s32 s5, v6;
	[tilespmem:v53+s19+$0x0] =	vst.idx.msk $0xffff, v52;
	v9 =	vld [tilespmem:s1+$0xFFFFFEE0]  }
0x318: {  	[tilespmem:v11+s19+$0x0] =	vst.idx.msk $0xffff, v8;
	v8 =	vld [tilespmem:s1+$0x150];
	v11 =	vadd.s32 s14, v5  }
0x319: {  	[tilespmem:v13+s19+$0x0] =	vst.idx.msk $0xffff, v10;
	v10 =	vld [tilespmem:s1+$0xFFFFFF60];
	v13 =	vadd.s32 s6, v6  }
0x31a: {  	v59 =	vadd.s32 s12, v6;
	[tilespmem:v55+s19+$0x0] =	vst.idx.msk $0xffff, v54;
	v58 =	vld [tilespmem:s1+$0x60]  }
0x31b: {  	v57 =	vadd.s32 s8, v6;
	v56 =	vld [tilespmem:s1+$0xFFFFFFE0];
	[tilespmem:v15+s19+$0x0] =	vst.idx.msk $0xffff, v14  }
0x31c: {  	v15 =	vadd.s32 s0, v6;
	[tilespmem:v12+s19+$0x0] =	vst.idx.msk $0xffff, v9;
	v14 =	vld [tilespmem:s1+$0xFFFFFE60]  }
0x31d: {  	[tilespmem:v11+s19+$0x0] =	vst.idx.msk $0xffff, v8;
	v8 =	vld [tilespmem:s1+$0xE0];
	v11 =	vadd.s32 s13, v6  }
0x31e: {  	[tilespmem:v13+s19+$0x0] =	vst.idx.msk $0xffff, v10;
	v13 =	vadd.s32 s5, v7;
	v10 =	vld [tilespmem:s1+$0xFFFFFEF0]  }
0x31f: {  	[tilespmem:v59+s19+$0x0] =	vst.idx.msk $0xffff, v58;
	v12 =	vadd.s32 s14, v6;
	v9 =	vld [tilespmem:s1+$0x160]  }
0x320: {  	v61 =	vadd.s32 s6, v7;
	[tilespmem:v57+s19+$0x0] =	vst.idx.msk $0xffff, v56;
	v60 =	vld [tilespmem:s1+$0xFFFFFF70]  }
0x321: {  	v63 =	vadd.s32 s8, v7;
	v62 =	vld [tilespmem:s1+$0xFFFFFFF0];
	[tilespmem:v15+s19+$0x0] =	vst.idx.msk $0xffff, v14  }
0x322: {  	[tilespmem:v11+s19+$0x0] =	vst.idx.msk $0xffff, v8;
	v8 =	vld [tilespmem:s1+$0x70];
	v11 =	vadd.s32 s12, v7  }
0x323: {  	v15 =	vadd.s32 s0, v7;
	[tilespmem:v13+s19+$0x0] =	vst.idx.msk $0xffff, v10;
	v14 =	vld [tilespmem:s1+$0xFFFFFE70]  }
0x324: {  	[tilespmem:v12+s19+$0x0] =	vst.idx.msk $0xffff, v9;
	v9 =	vld [tilespmem:s1+$0xF0];
	v12 =	vadd.s32 s13, v7  }
0x325: {  	v13 =	vadd.s32 s14, v7;
	[tilespmem:v61+s19+$0x0] =	vst.idx.msk $0xffff, v60;
	v10 =	vld [tilespmem:s1+$0x170]  }
0x326: {  	[tilespmem:v63+s19+$0x0] =	vst.idx.msk $0xffff, v62  }
0x327: {  	[tilespmem:v11+s19+$0x0] =	vst.idx.msk $0xffff, v8  }
0x328: {  	[tilespmem:v15+s19+$0x0] =	vst.idx.msk $0xffff, v14  }
0x329: {  	[tilespmem:v12+s19+$0x0] =	vst.idx.msk $0xffff, v9  }
0x32a: {  	s5 =	simm.s32 $0x4224;
	[tilespmem:v13+s19+$0x0] =	vst.idx.msk $0xffff, v10  }
0x32b: {  	v8 =	vld [tilespmem:s5+$0x19B]  }
0x32c: {  	v9 =	vld [tilespmem:s5+$0xFFFFFE65]  }
0x32d: {  	v10 =	vld [tilespmem:s5+$0xFFFFFEEE]  }
0x32e: {  	v11 =	vld [tilespmem:s5+$0xFFFFFF77]  }
0x32f: {  	s0 =	simm.s32 $0xCA00;
	v12 =	vld [tilespmem:s5+$0x0]  }
0x330: {  	v13 =	vld [tilespmem:s5+$0x89];
	[tilespmem:s0+$0xC0] =	vst v8  }
0x331: {  	[tilespmem:s0+$0xFFFFFF40] =	vst v9;
	v9 =	vld [tilespmem:s5+$0x112]  }
0x332: {  	[tilespmem:s0+$0xFFFFFF80] =	vst v10;
	v10 =	vld [tilespmem:s5+$0xFFFFFDDC]  }
0x333: {  	[tilespmem:s0+$0xFFFFFFC0] =	vst v11;
	v8 =	vld [tilespmem:s5+$0x1AB]  }
0x334: {  	[tilespmem:s0+$0x0] =	vst v12;
	v11 =	vld [tilespmem:s5+$0xFFFFFE75]  }
0x335: {  	[tilespmem:s0+$0x40] =	vst v13;
	v12 =	vld [tilespmem:s5+$0xFFFFFEFE]  }
0x336: {  	s1 =	simm.s32 $0x1C0;
	v13 =	vld [tilespmem:s5+$0xFFFFFF87];
	[tilespmem:s0+$0x80] =	vst v9  }
0x337: {  	s8 =	simm.s32 $0x40;
	s6 =	sor.u32 $0x50, s1;
	[tilespmem:s0+$0xFFFFFF00] =	vst v10;
	v9 =	vld [tilespmem:s5+$0x10]  }
0x338: {  	s12 =	sor.u32 $0x50, s8;
	[tilespmem:s6+$0xC900] =	vst v8;
	v10 =	vld [tilespmem:s5+$0xFFFFFDEC]  }
0x339: {  	s13 =	simm.s32 $0xC0;
	[tilespmem:s12+$0xC900] =	vst v11;
	v11 =	vld [tilespmem:s5+$0x99]  }
0x33a: {  	s14 =	sor.u32 $0x50, s13;
	[tilespmem:s0+$0xFFFFFF90] =	vst v12;
	v12 =	vld [tilespmem:s5+$0x122]  }
0x33b: {  	[tilespmem:s14+$0xC900] =	vst v13;
	v8 =	vld [tilespmem:s5+$0x1BB]  }
0x33c: {  	s16 =	simm.s32 $0x140;
	v13 =	vld [tilespmem:s5+$0xFFFFFE85];
	[tilespmem:s0+$0x10] =	vst v9  }
0x33d: {  	s17 =	sor.u32 $0x50, s16;
	v9 =	vld [tilespmem:s5+$0xFFFFFF0E];
	[tilespmem:s0+$0xFFFFFF10] =	vst v10  }
0x33e: {  	[tilespmem:s17+$0xC900] =	vst v11;
	v11 =	vld [tilespmem:s5+$0xFFFFFF97]  }
0x33f: {  	s15 =	sor.u32 $0x60, s1;
	[tilespmem:s0+$0x90] =	vst v12;
	v10 =	vld [tilespmem:s5+$0xFFFFFDFC]  }
0x340: {  	s24 =	sor.u32 $0x60, s8;
	v12 =	vld [tilespmem:s5+$0x20];
	[tilespmem:s15+$0xC900] =	vst v8  }
0x341: {  	[tilespmem:s24+$0xC900] =	vst v13;
	v8 =	vld [tilespmem:s5+$0x1CB]  }
0x342: {  	s29 =	sor.u32 $0x60, s13;
	v13 =	vld [tilespmem:s5+$0xA9];
	[tilespmem:s0+$0xFFFFFFA0] =	vst v9  }
0x343: {  	v14 =	vld [tilespmem:s5+$0x132];
	[tilespmem:s29+$0xC900] =	vst v11  }
0x344: {  	v15 =	vld [tilespmem:s5+$0xFFFFFE95];
	[tilespmem:s0+$0xFFFFFF20] =	vst v10  }
0x345: {  	p2 =	por $0x1, $0x1;
	s28 =	sor.u32 $0x70, s1;
	[tilespmem:s0+$0x20] =	vst v12;
	v16 =	vld [tilespmem:s5+$0xFFFFFE0C]  }
.Ltmp11:
0x346: {  	s30 =	sor.u32 $0x60, s16;
	[tilespmem:s28+$0xC900] =	vst v8;
	v8 =	vld [tilespmem:s5+$0xFFFFFF1E];
	(pc) =	sbr.rel @!p2 .LBB2_16-.Ltmp11, $4  }
0x347: {  	v9 =	vld [tilespmem:s5+$0xFFFFFFA7];
	[tilespmem:s30+$0xC900] =	vst v13  }
0x348: {  	s31 =	sor.u32 $0x70, s8;
	v10 =	vld [tilespmem:s5+$0x30];
	[tilespmem:s0+$0xA0] =	vst v14  }
0x349: {  	s2 =	simm.s32 $0x0;
	[tilespmem:s31+$0xC900] =	vst v15;
	v11 =	vld [tilespmem:s5+$0xB9]  }
0x34a: {  	s8 =	sor.u32 $0x70, s13;
	s6 =	sor.u32 $0x70, s16;
	v12 =	vld [tilespmem:s5+$0x142];
	s5 =	simm.s32 $0x466C;
	[tilespmem:s0+$0xFFFFFF30] =	vst v16  }
.LBB2_15:
0x34b: {  	v13 =	vld [tilespmem:s5+$0x19B];
	s2 =	sadd.s32 $0x8, s2;
	[tilespmem:s0+$0xFFFFFFB0] =	vst v8  }
0x34c: {  	v8 =	vld [tilespmem:s5+$0xFFFFFE65];
	p2 =	slt.u32 s2, $0x78;
	[tilespmem:s8+$0xC900] =	vst v9  }
0x34d: {  	v9 =	vld [tilespmem:s5+$0xFFFFFEEE];
	[tilespmem:s0+$0x30] =	vst v10  }
0x34e: {  	v10 =	vld [tilespmem:s5+$0xFFFFFF77];
	[tilespmem:s6+$0xC900] =	vst v11  }
0x34f: {  	v11 =	vld [tilespmem:s5+$0x0];
	[tilespmem:s0+$0xB0] =	vst v12;
	s0 =	sadd.s32 $0x200, s0  }
0x350: {  	v12 =	vld [tilespmem:s5+$0x89];
	[tilespmem:s0+$0xC0] =	vst v13  }
0x351: {  	[tilespmem:s0+$0xFFFFFF40] =	vst v8;
	v8 =	vld [tilespmem:s5+$0x1AB]  }
0x352: {  	[tilespmem:s0+$0xFFFFFF80] =	vst v9;
	v9 =	vld [tilespmem:s5+$0x112]  }
0x353: {  	v13 =	vld [tilespmem:s5+$0xFFFFFDDC];
	[tilespmem:s0+$0xFFFFFFC0] =	vst v10  }
0x354: {  	s1 =	sadd.s32 $0x200, s1;
	v10 =	vld [tilespmem:s5+$0xFFFFFE75];
	[tilespmem:s0+$0x0] =	vst v11  }
0x355: {  	s8 =	sadd.s32 $0xFFFFFF00, s1;
	s12 =	sor.u32 $0x50, s1;
	s6 =	sadd.s32 $0xFFFFFE80, s1;
	v11 =	vld [tilespmem:s5+$0xFFFFFEFE];
	[tilespmem:s0+$0x40] =	vst v12  }
0x356: {  	s15 =	sadd.s32 $0xFFFFFF80, s1;
	s14 =	sor.u32 $0x50, s8;
	s13 =	sor.u32 $0x50, s6;
	v12 =	vld [tilespmem:s5+$0xFFFFFF87];
	[tilespmem:s12+$0xC900] =	vst v8  }
0x357: {  	s16 =	sor.u32 $0x60, s8;
	s17 =	sor.u32 $0x50, s15;
	s12 =	sor.u32 $0x60, s6;
	[tilespmem:s0+$0x80] =	vst v9;
	v8 =	vld [tilespmem:s5+$0x1BB]  }
0x358: {  	s8 =	sor.u32 $0x70, s8;
	s28 =	sor.u32 $0x60, s15;
	s24 =	sor.u32 $0x70, s6;
	[tilespmem:s0+$0xFFFFFF00] =	vst v13;
	v9 =	vld [tilespmem:s5+$0x10]  }
0x359: {  	s6 =	sor.u32 $0x70, s15;
	v13 =	vld [tilespmem:s5+$0xFFFFFDEC];
	[tilespmem:s13+$0xC900] =	vst v10  }
0x35a: {  	[tilespmem:s0+$0xFFFFFF90] =	vst v11;
	v10 =	vld [tilespmem:s5+$0x99]  }
0x35b: {  	s13 =	sor.u32 $0x60, s1;
	[tilespmem:s14+$0xC900] =	vst v12;
	v11 =	vld [tilespmem:s5+$0x122]  }
0x35c: {  	v12 =	vld [tilespmem:s5+$0xFFFFFE85];
	[tilespmem:s13+$0xC900] =	vst v8  }
0x35d: {  	[tilespmem:s0+$0x10] =	vst v9;
	v8 =	vld [tilespmem:s5+$0x1CB]  }
0x35e: {  	[tilespmem:s0+$0xFFFFFF10] =	vst v13;
	v9 =	vld [tilespmem:s5+$0xFFFFFF0E]  }
0x35f: {  	v13 =	vld [tilespmem:s5+$0xFFFFFDFC];
	[tilespmem:s17+$0xC900] =	vst v10  }
0x360: {  	v10 =	vld [tilespmem:s5+$0xFFFFFF97];
	[tilespmem:s0+$0x90] =	vst v11  }
0x361: {  	[tilespmem:s12+$0xC900] =	vst v12;
	v11 =	vld [tilespmem:s5+$0x20];
	s12 =	sor.u32 $0x70, s1  }
0x362: {  	v12 =	vld [tilespmem:s5+$0xA9];
	[tilespmem:s12+$0xC900] =	vst v8  }
0x363: {  	[tilespmem:s0+$0xFFFFFFA0] =	vst v9;
	v14 =	vld [tilespmem:s5+$0x132]  }
0x364: {  	[tilespmem:s0+$0xFFFFFF20] =	vst v13;
	v13 =	vld [tilespmem:s5+$0xFFFFFE95]  }
0x365: {  	v15 =	vld [tilespmem:s5+$0xFFFFFE0C];
	[tilespmem:s16+$0xC900] =	vst v10  }
.Ltmp12:
0x366: {  	v8 =	vld [tilespmem:s5+$0xFFFFFF1E];
	[tilespmem:s0+$0x20] =	vst v11;
	(pc) =	sbr.rel @p2 .LBB2_15-.Ltmp12, $4  }
0x367: {  	v9 =	vld [tilespmem:s5+$0xFFFFFFA7];
	[tilespmem:s28+$0xC900] =	vst v12  }
0x368: {  	v10 =	vld [tilespmem:s5+$0x30];
	[tilespmem:s0+$0xA0] =	vst v14  }
0x369: {  	[tilespmem:s24+$0xC900] =	vst v13;
	v11 =	vld [tilespmem:s5+$0xB9]  }
0x36a: {  	[tilespmem:s0+$0xFFFFFF30] =	vst v15;
	v12 =	vld [tilespmem:s5+$0x142];
	s5 =	sadd.s32 $0x448, s5  }
.Ltmp13:
0x36b: {  	_ = 	snop;
	(pc) =	sbr.rel .LBB2_16-.Ltmp13, $1  }
0x36c: {  	_ =	sdelay $0x3  }
.LBB2_18:
0x36d: {  	_ =	sfence.sel $0x180000  }
0x36e: {  	[bflag:$0x0] =	sbarrier.arrive $0xFFFF  }
0x36f: {  	_ =	strace $0x90000047  }
0x370: {  	s0 =	stileid.u32;
	[bflag:$0x2] =	sbarrier.arrive $0xFFFF  }
0x371: {  	p0 =	sne.s32 s0, $0x0;
	s0 =	rddreg [dreg:$0x3]  }
0x372: {  	s0 =	sadd.s32 @!p0 $0x100000, s0  }
0x373: {  	[sflag:s0] =	ssyncadd.tile.s32 @!p0 $0x1;
	_ =	shalt  }
.Lfunc_end2:
_tile_overlayer_lowered:
.L_overlay_start_2:
0x374: {  	(tag) =	ssettag $0x2  }
0x375: {  	s0 =	rddreg [dreg:$0x0];
	s2 =	stileid.u32  }
0x376: {  	s1 =	rddreg [dreg:$0x1];
	p0 =	sne.s32 s2, $0x0  }
0x377: {  	s3 =	rddreg [dreg:$0x2];
	[bflag:$0x3] =	sbarrier.arrive $0xFFFF;
	s2 =	simm.s32 @!p0 $0x1C05  }
0x378: {  	[timem:s3], [sflag:s2] =	dma.local @!p0 [hbm:s0], s1  }
0x379: {  	s0 =	simm.s32 @!p0 $0x5  }
0x37a: {  	_ =	swait.ge @!p0 [sflag:s0], s1  }
0x37b: {  	s1 =	ssub.s32 @!p0 $0x0, s1;
	[sflag:s0] =	ssyncset.done @!p0 $0x0  }
0x37c: {  	[sflag:s0] =	ssyncadd.s32 @!p0 s1  }
0x37d: {  	[bflag:$0x3] =	sbarrier.arrive $0xFFFF  }
0x37e: {  	_ =	shalt  }

</sc_bundles>
